<compile_context>
chip_gen: v7x
topology: tpu7x:2x2x1
jax: 0.10.2.dev20260603
libtpu: 0.0.44.dev20260713+nightly
codegen_flags: <defaults>
</compile_context>

<pallas_src>
import functools

import jax
import jax.numpy as jnp
from jax import lax
from jax.experimental import pallas as pl
from jax.experimental.pallas import tpu as pltpu
from jax.experimental.pallas import tpu_sc as plsc

N = 10000
E = 320000
D = 128
DP = 144
NC, NS = 2, 16
NW = NC * NS
CB = 128
EP = 2560 * CB
CPW = (EP // CB) // NW
NPAD = 10240
RPS = NPAD // NS
BN = 1000


def _sc_agg_body(d, vals_hbm, src_hbm, dst_hbm, out0, out1,
                 sidx_v, didx_v, rows_v, agg_sh):
    c = lax.axis_index("c")
    s = lax.axis_index("s")
    w = c * NS + s

    def zrow(r, _):
        for j in range(d // 16):
            rows_v[r, pl.ds(j * 16, 16)] = jnp.zeros((16,), jnp.float32)
        return _
    lax.fori_loop(0, CB, zrow, 0)
    base = s * RPS
    for i in range(RPS // CB):
        pltpu.sync_copy(rows_v, agg_sh.at[pl.ds(base + i * CB, CB)])
    plsc.subcore_barrier()

    pltpu.sync_copy(src_hbm.at[pl.ds(w * CPW, CPW)], sidx_v)
    pltpu.sync_copy(dst_hbm.at[pl.ds(w * CPW, CPW)], didx_v)

    def chunk(j, _):
        pltpu.sync_copy(vals_hbm.at[sidx_v.at[j]], rows_v)
        pltpu.sync_copy(rows_v, agg_sh.at[didx_v.at[j]], add=True)
        return _
    lax.fori_loop(0, CPW, chunk, 0)
    plsc.subcore_barrier()

    @pl.when(c == 0)
    def _():
        for i in range(RPS // 80):
            @pl.when(base + i * 80 < N)
            def _():
                pltpu.sync_copy(agg_sh.at[pl.ds(base + i * 80, 80)],
                                out0.at[pl.ds(base + i * 80, 80)])

    @pl.when(c == 1)
    def _():
        for i in range(RPS // 80):
            @pl.when(base + i * 80 < N)
            def _():
                pltpu.sync_copy(agg_sh.at[pl.ds(base + i * 80, 80)],
                                out1.at[pl.ds(base + i * 80, 80)])


@functools.lru_cache(maxsize=None)
def _make_sc_agg(d):
    mesh = plsc.VectorSubcoreMesh(core_axis_name="c", subcore_axis_name="s",
                                  num_cores=NC, num_subcores=NS)
    return pl.kernel(
        functools.partial(_sc_agg_body, d),
        out_type=[jax.ShapeDtypeStruct((N, d), jnp.float32),
                  jax.ShapeDtypeStruct((N, d), jnp.float32)],
        mesh=mesh,
        compiler_params=pltpu.CompilerParams(use_tc_tiling_on_sc=False),
        scratch_types=[
            pltpu.VMEM((CPW, CB), jnp.int32),
            pltpu.VMEM((CPW, CB), jnp.int32),
            pltpu.VMEM((CB, d), jnp.float32),
            pltpu.VMEM_SHARED((NPAD, d), jnp.float32),
        ],
    )


def _tc1_body(a0_ref, a1_ref, x_ref, wl_ref, wr_ref, b_ref, h_ref, inv_ref):
    agg = a0_ref[...] + a1_ref[...]
    inv = 1.0 / jnp.maximum(agg[:, 128:129], 1.0)
    mean = agg[:, :128] * inv
    h = jnp.dot(mean, wl_ref[...], preferred_element_type=jnp.float32)
    h = h + jnp.dot(x_ref[...], wr_ref[...], preferred_element_type=jnp.float32)
    h = h + b_ref[...]
    h_ref[...] = jnp.maximum(h, 0.0)
    inv_ref[...] = inv


_tc1 = pl.pallas_call(
    _tc1_body,
    grid=(N // BN,),
    in_specs=[
        pl.BlockSpec((BN, DP), lambda i: (i, 0)),
        pl.BlockSpec((BN, DP), lambda i: (i, 0)),
        pl.BlockSpec((BN, D), lambda i: (i, 0)),
        pl.BlockSpec((D, D), lambda i: (0, 0)),
        pl.BlockSpec((D, D), lambda i: (0, 0)),
        pl.BlockSpec((1, D), lambda i: (0, 0)),
    ],
    out_specs=[pl.BlockSpec((BN, D), lambda i: (i, 0)),
               pl.BlockSpec((BN, 1), lambda i: (i, 0))],
    out_shape=[jax.ShapeDtypeStruct((N, D), jnp.float32),
               jax.ShapeDtypeStruct((N, 1), jnp.float32)],
)


def _tc2_body(a0_ref, a1_ref, h_ref, inv_ref, wl_ref, wr_ref, b_ref, h2_ref):
    mean = (a0_ref[...] + a1_ref[...]) * inv_ref[...]
    h2 = jnp.dot(mean, wl_ref[...], preferred_element_type=jnp.float32)
    h2 = h2 + jnp.dot(h_ref[...], wr_ref[...], preferred_element_type=jnp.float32)
    h2_ref[...] = jnp.maximum(h2 + b_ref[...], 0.0)


_tc2 = pl.pallas_call(
    _tc2_body,
    grid=(N // BN,),
    in_specs=[
        pl.BlockSpec((BN, D), lambda i: (i, 0)),
        pl.BlockSpec((BN, D), lambda i: (i, 0)),
        pl.BlockSpec((BN, D), lambda i: (i, 0)),
        pl.BlockSpec((BN, 1), lambda i: (i, 0)),
        pl.BlockSpec((D, D), lambda i: (0, 0)),
        pl.BlockSpec((D, D), lambda i: (0, 0)),
        pl.BlockSpec((1, D), lambda i: (0, 0)),
    ],
    out_specs=[pl.BlockSpec((BN, D), lambda i: (i, 0))],
    out_shape=[jax.ShapeDtypeStruct((N, D), jnp.float32)],
)


def _tc3_body(h2_ref, wc_ref, bc_ref, head_ref, o_ref):
    hcT = lax.dot_general(wc_ref[...], h2_ref[...], (((1,), (1,)), ((), ())),
                          preferred_element_type=jnp.float32)
    hcT = hcT + bc_ref[:, 0:1]
    ca = jnp.cos(hcT)
    sa = jnp.sin(hcT)
    ca0, ca1, ca2, ca3 = (ca[i:i + 1, :] for i in range(4))
    sa0, sa1, sa2, sa3 = (sa[i:i + 1, :] for i in range(4))
    q = (head_ref[0] * (ca1 * ca3)
         + head_ref[1] * (ca0 * sa1 * sa2 * ca3)
         + head_ref[2] * (sa0 * sa2 * ca3)
         + head_ref[3] * (ca0 * ca2 * sa3)
         + head_ref[4] * (sa0 * sa1 * ca2 * sa3)
         + head_ref[5] * (ca1 * sa2)
         + head_ref[6] * (ca0 * sa1)
         + head_ref[7] * sa0)
    z = q * head_ref[8] + head_ref[9]
    o_ref[...] = 1.0 / (1.0 + jnp.exp(-z))


_tc3 = pl.pallas_call(
    _tc3_body,
    grid=(1,),
    in_specs=[
        pl.BlockSpec((N, D), lambda i: (0, 0)),
        pl.BlockSpec((8, D), lambda i: (0, 0)),
        pl.BlockSpec((8, D), lambda i: (0, 0)),
        pl.BlockSpec(memory_space=pltpu.SMEM),
    ],
    out_specs=[pl.BlockSpec((1, N), lambda i: (0, 0))],
    out_shape=[jax.ShapeDtypeStruct((1, N), jnp.float32)],
)


def kernel(x, edge_index, W1l, b1l, W1r, W2l, b2l, W2r, Wc, bc, theta, Wcl, bcl):
    src = edge_index[0]
    dst = edge_index[1]
    src2 = jnp.concatenate([src, jnp.zeros((EP - E,), jnp.int32)]).reshape(EP // CB, CB)
    dst2 = jnp.concatenate([dst, jnp.full((EP - E,), N, jnp.int32)]).reshape(EP // CB, CB)
    vals1 = jnp.concatenate(
        [x, jnp.ones((N, 1), jnp.float32), jnp.zeros((N, DP - D - 1), jnp.float32)],
        axis=1)

    a10, a11 = _make_sc_agg(DP)(vals1, src2, dst2)
    h1, inv = _tc1(a10, a11, x, W1l.T, W1r.T, b1l.reshape(1, D))
    a20, a21 = _make_sc_agg(D)(h1, src2, dst2)

    ct, st = jnp.cos(theta), jnp.sin(theta)
    head = jnp.stack([
        ct[0] * ct[1] * ct[2] * ct[3],
        -ct[0] * st[1] * ct[2] * ct[3],
        st[0] * st[1] * ct[2] * ct[3],
        -ct[0] * ct[1] * ct[2] * st[3],
        st[0] * ct[1] * ct[2] * st[3],
        ct[0] * ct[1] * st[2] * st[3],
        -ct[0] * st[1] * st[2] * st[3],
        st[0] * st[1] * st[2] * st[3],
        Wcl[0, 0], bcl[0],
        jnp.float32(0), jnp.float32(0), jnp.float32(0), jnp.float32(0),
        jnp.float32(0), jnp.float32(0),
    ])
    wc8 = jnp.zeros((8, D), jnp.float32).at[:4].set(Wc)
    bc8 = jnp.tile(jnp.pad(bc, (0, 4))[:, None], (1, D))

    (h2,) = _tc2(a20, a21, h1, inv, W2l.T, W2r.T, b2l.reshape(1, D))
    (oT,) = _tc3(h2, wc8, bc8, head)
    return oT.reshape(N, 1)

# --- scband reference (transcript-rebuilt; emitter-appended) ---
"""Pipeline reference for scband-hybrid-qgnn-32152125178145 (READ-ONLY COPY).

The authoritative reference and input builder live on the scoring server;
editing this copy changes nothing except your own understanding.
"""

import jax, jax.numpy as jnp
import numpy as np

N = 10000
E = 320000
D_IN = 128
D_H = 128
NQ = 4
_Z = np.array([(-1) ** bin(i).count("1") for i in range(2 ** NQ)], dtype=np.float32)


def _apply_ry(state, theta, q):
    psi = state.reshape((2,) * NQ)
    psi = jnp.moveaxis(psi, q, 0)
    c = jnp.cos(theta / 2.0)
    s = jnp.sin(theta / 2.0)
    a, b = psi[0], psi[1]
    psi = jnp.stack([c * a - s * b, s * a + c * b], axis=0)
    psi = jnp.moveaxis(psi, 0, q)
    return psi.reshape(-1)


def _apply_cnot(state, c, t):
    psi = state.reshape((2,) * NQ)
    psi = jnp.moveaxis(psi, (c, t), (0, 1))
    a, b = psi[0], psi[1]
    b = jnp.stack([b[1], b[0]], axis=0)
    psi = jnp.stack([a, b], axis=0)
    psi = jnp.moveaxis(psi, (0, 1), (c, t))
    return psi.reshape(-1)


def _circuit(angles, weights):
    # Emulated EstimatorQNN: RY angle encoding, CNOT entangler chain,
    # RY trainable layer, observable Z^{otimes n}. Real statevector sim.
    state = jnp.zeros((2 ** NQ,), jnp.float32).at[0].set(1.0)
    for q in range(NQ):
        state = _apply_ry(state, angles[q], q)
    for q in range(NQ - 1):
        state = _apply_cnot(state, q, q + 1)
    for q in range(NQ):
        state = _apply_ry(state, weights[q], q)
    return jnp.sum(state * state * jnp.asarray(_Z))


def _sage(x, src, dst, Wl, bl, Wr):
    # PyG SAGEConv (mean aggr): lin_l(mean_{j in N(i)} x_j) + lin_r(x_i)
    msg = jnp.take(x, src, axis=0)
    agg = jax.ops.segment_sum(msg, dst, num_segments=N)
    cnt = jax.ops.segment_sum(jnp.ones((src.shape[0],), x.dtype), dst, num_segments=N)
    mean = agg / jnp.maximum(cnt, 1.0)[:, None]
    return mean @ Wl.T + bl + x @ Wr.T


def setup_inputs(seed: int = 0) -> dict:
    key = jax.random.key(seed)
    ks = jax.random.split(key, 14)
    s = 0.05
    return {
        "x": jax.random.normal(ks[0], (N, D_IN), jnp.float32),
        "edge_index": jax.random.randint(ks[1], (2, E), 0, N, jnp.int32),
        "W1l": jax.random.normal(ks[2], (D_H, D_IN), jnp.float32) * s,
        "b1l": jnp.zeros((D_H,), jnp.float32),
        "W1r": jax.random.normal(ks[3], (D_H, D_IN), jnp.float32) * s,
        "W2l": jax.random.normal(ks[4], (D_H, D_H), jnp.float32) * s,
        "b2l": jnp.zeros((D_H,), jnp.float32),
        "W2r": jax.random.normal(ks[5], (D_H, D_H), jnp.float32) * s,
        "Wc": jax.random.normal(ks[6], (NQ, D_H), jnp.float32) * s,
        "bc": jnp.zeros((NQ,), jnp.float32),
        "theta": jax.random.normal(ks[7], (NQ,), jnp.float32) * s,
        "Wcl": jax.random.normal(ks[8], (1, 1), jnp.float32) * s,
        "bcl": jnp.zeros((1,), jnp.float32),
    }


def reference(x, edge_index, W1l, b1l, W1r, W2l, b2l, W2r, Wc, bc, theta, Wcl, bcl):
    src, dst = edge_index[0], edge_index[1]
    h = jax.nn.relu(_sage(x, src, dst, W1l, b1l, W1r))
    h = jax.nn.relu(_sage(h, src, dst, W2l, b2l, W2r))
    hc = h @ Wc.T + bc
    q = jax.vmap(lambda a: _circuit(a, theta))(hc)
    out = q[:, None] @ Wcl.T + bcl
    return jax.nn.sigmoid(out)

if __name__ == "__main__":
    import jax
    _d = setup_inputs()
    print(jax.jit(kernel)(*tuple(_d.values())))

</pallas_src>

<mosaic_0001>
#map = affine_map<(d0, d1) -> (0, 0)>
module attributes {stable_mosaic.version = 14 : i64} {
  func.func @_sc_agg_body(%arg0: i32, %arg1: i32, %arg2: memref<10000x128xf32, #tpu.memory_space<hbm>>, %arg3: memref<2560x128xi32, #tpu.memory_space<hbm>>, %arg4: memref<2560x128xi32, #tpu.memory_space<hbm>>, %arg5: memref<10000x128xf32, #tpu.memory_space<hbm>>, %arg6: memref<10000x128xf32, #tpu.memory_space<hbm>>, %arg7: memref<80x128xi32, #tpu.memory_space<vmem>>, %arg8: memref<80x128xi32, #tpu.memory_space<vmem>>, %arg9: memref<128x128xf32, #tpu.memory_space<vmem>>, %arg10: memref<10240x128xf32, #tpu.memory_space<vmem_shared>>) attributes {dimension_semantics = [#tpu.dimension_semantics<core_parallel>, #tpu.dimension_semantics<subcore_parallel>], iteration_bounds = array<i64: 2, 16>, scalar_prefetch = 0 : i64, scratch_operands = 4 : i64, tpu.core_type = #tpu.core_type<sc_vector_subcore>, window_params = [{transform_indices = #map}, {transform_indices = #map}, {transform_indices = #map}, {transform_indices = #map}, {transform_indices = #map}]} {
    %mul3A = arith.constant 16 : i32
    %mul3A_0 = arith.muli %arg0, %mul3A : i32
    %add3A = arith.addi %mul3A_0, %arg1 : i32
    %scan3A = arith.constant 0 : i32
    %scan3A_1 = arith.constant 0 : i32
    %scan3A_2 = arith.constant 128 : i32
    %scan3A_3 = arith.addi %scan3A_1, %scan3A_2 : i32
    %scan3A_4 = arith.constant 1 : i32
    scf.for %scan3A_36 = %scan3A_1 to %scan3A_3 step %scan3A_4  : i32 {
      %broadcast_in_dim3A = arith.constant 0.000000e+00 : f32
      %broadcast_in_dim3A_37 = vector.broadcast %broadcast_in_dim3A : f32 to vector<16xf32>
      %swap3A = arith.index_cast %scan3A_36 : i32 to index
      %swap3A_38 = arith.constant 0 : index
      %swap3A_39 = tpu.vector_load %arg9[%swap3A, %swap3A_38] {strides = array<i32>} : memref<128x128xf32, #tpu.memory_space<vmem>>, vector<1x16xf32>,
      %swap3A_40 = vector.shape_cast %swap3A_39 : vector<1x16xf32> to vector<16xf32>
      %swap3A_41 = vector.shape_cast %broadcast_in_dim3A_37 : vector<16xf32> to vector<1x16xf32>
      tpu.vector_store %arg9[%swap3A, %swap3A_38], %swap3A_41 {strides = array<i32>} : memref<128x128xf32, #tpu.memory_space<vmem>>, vector<1x16xf32>,
      %broadcast_in_dim3A_42 = arith.constant 0.000000e+00 : f32
      %broadcast_in_dim3A_43 = vector.broadcast %broadcast_in_dim3A_42 : f32 to vector<16xf32>
      %swap3A_44 = arith.index_cast %scan3A_36 : i32 to index
      %swap3A_45 = arith.constant 16 : index
      %swap3A_46 = tpu.vector_load %arg9[%swap3A_44, %swap3A_45] {strides = array<i32>} : memref<128x128xf32, #tpu.memory_space<vmem>>, vector<1x16xf32>,
      %swap3A_47 = vector.shape_cast %swap3A_46 : vector<1x16xf32> to vector<16xf32>
      %swap3A_48 = vector.shape_cast %broadcast_in_dim3A_43 : vector<16xf32> to vector<1x16xf32>
      tpu.vector_store %arg9[%swap3A_44, %swap3A_45], %swap3A_48 {strides = array<i32>} : memref<128x128xf32, #tpu.memory_space<vmem>>, vector<1x16xf32>,
      %broadcast_in_dim3A_49 = arith.constant 0.000000e+00 : f32
      %broadcast_in_dim3A_50 = vector.broadcast %broadcast_in_dim3A_49 : f32 to vector<16xf32>
      %swap3A_51 = arith.index_cast %scan3A_36 : i32 to index
      %swap3A_52 = arith.constant 32 : index
      %swap3A_53 = tpu.vector_load %arg9[%swap3A_51, %swap3A_52] {strides = array<i32>} : memref<128x128xf32, #tpu.memory_space<vmem>>, vector<1x16xf32>,
      %swap3A_54 = vector.shape_cast %swap3A_53 : vector<1x16xf32> to vector<16xf32>
      %swap3A_55 = vector.shape_cast %broadcast_in_dim3A_50 : vector<16xf32> to vector<1x16xf32>
      tpu.vector_store %arg9[%swap3A_51, %swap3A_52], %swap3A_55 {strides = array<i32>} : memref<128x128xf32, #tpu.memory_space<vmem>>, vector<1x16xf32>,
      %broadcast_in_dim3A_56 = arith.constant 0.000000e+00 : f32
      %broadcast_in_dim3A_57 = vector.broadcast %broadcast_in_dim3A_56 : f32 to vector<16xf32>
      %swap3A_58 = arith.index_cast %scan3A_36 : i32 to index
      %swap3A_59 = arith.constant 48 : index
      %swap3A_60 = tpu.vector_load %arg9[%swap3A_58, %swap3A_59] {strides = array<i32>} : memref<128x128xf32, #tpu.memory_space<vmem>>, vector<1x16xf32>,
      %swap3A_61 = vector.shape_cast %swap3A_60 : vector<1x16xf32> to vector<16xf32>
      %swap3A_62 = vector.shape_cast %broadcast_in_dim3A_57 : vector<16xf32> to vector<1x16xf32>
      tpu.vector_store %arg9[%swap3A_58, %swap3A_59], %swap3A_62 {strides = array<i32>} : memref<128x128xf32, #tpu.memory_space<vmem>>, vector<1x16xf32>,
      %broadcast_in_dim3A_63 = arith.constant 0.000000e+00 : f32
      %broadcast_in_dim3A_64 = vector.broadcast %broadcast_in_dim3A_63 : f32 to vector<16xf32>
      %swap3A_65 = arith.index_cast %scan3A_36 : i32 to index
      %swap3A_66 = arith.constant 64 : index
      %swap3A_67 = tpu.vector_load %arg9[%swap3A_65, %swap3A_66] {strides = array<i32>} : memref<128x128xf32, #tpu.memory_space<vmem>>, vector<1x16xf32>,
      %swap3A_68 = vector.shape_cast %swap3A_67 : vector<1x16xf32> to vector<16xf32>
      %swap3A_69 = vector.shape_cast %broadcast_in_dim3A_64 : vector<16xf32> to vector<1x16xf32>
      tpu.vector_store %arg9[%swap3A_65, %swap3A_66], %swap3A_69 {strides = array<i32>} : memref<128x128xf32, #tpu.memory_space<vmem>>, vector<1x16xf32>,
      %broadcast_in_dim3A_70 = arith.constant 0.000000e+00 : f32
      %broadcast_in_dim3A_71 = vector.broadcast %broadcast_in_dim3A_70 : f32 to vector<16xf32>
      %swap3A_72 = arith.index_cast %scan3A_36 : i32 to index
      %swap3A_73 = arith.constant 80 : index
      %swap3A_74 = tpu.vector_load %arg9[%swap3A_72, %swap3A_73] {strides = array<i32>} : memref<128x128xf32, #tpu.memory_space<vmem>>, vector<1x16xf32>,
      %swap3A_75 = vector.shape_cast %swap3A_74 : vector<1x16xf32> to vector<16xf32>
      %swap3A_76 = vector.shape_cast %broadcast_in_dim3A_71 : vector<16xf32> to vector<1x16xf32>
      tpu.vector_store %arg9[%swap3A_72, %swap3A_73], %swap3A_76 {strides = array<i32>} : memref<128x128xf32, #tpu.memory_space<vmem>>, vector<1x16xf32>,
      %broadcast_in_dim3A_77 = arith.constant 0.000000e+00 : f32
      %broadcast_in_dim3A_78 = vector.broadcast %broadcast_in_dim3A_77 : f32 to vector<16xf32>
      %swap3A_79 = arith.index_cast %scan3A_36 : i32 to index
      %swap3A_80 = arith.constant 96 : index
      %swap3A_81 = tpu.vector_load %arg9[%swap3A_79, %swap3A_80] {strides = array<i32>} : memref<128x128xf32, #tpu.memory_space<vmem>>, vector<1x16xf32>,
      %swap3A_82 = vector.shape_cast %swap3A_81 : vector<1x16xf32> to vector<16xf32>
      %swap3A_83 = vector.shape_cast %broadcast_in_dim3A_78 : vector<16xf32> to vector<1x16xf32>
      tpu.vector_store %arg9[%swap3A_79, %swap3A_80], %swap3A_83 {strides = array<i32>} : memref<128x128xf32, #tpu.memory_space<vmem>>, vector<1x16xf32>,
      %broadcast_in_dim3A_84 = arith.constant 0.000000e+00 : f32
      %broadcast_in_dim3A_85 = vector.broadcast %broadcast_in_dim3A_84 : f32 to vector<16xf32>
      %swap3A_86 = arith.index_cast %scan3A_36 : i32 to index
      %swap3A_87 = arith.constant 112 : index
      %swap3A_88 = tpu.vector_load %arg9[%swap3A_86, %swap3A_87] {strides = array<i32>} : memref<128x128xf32, #tpu.memory_space<vmem>>, vector<1x16xf32>,
      %swap3A_89 = vector.shape_cast %swap3A_88 : vector<1x16xf32> to vector<16xf32>
      %swap3A_90 = vector.shape_cast %broadcast_in_dim3A_85 : vector<16xf32> to vector<1x16xf32>
      tpu.vector_store %arg9[%swap3A_86, %swap3A_87], %swap3A_90 {strides = array<i32>} : memref<128x128xf32, #tpu.memory_space<vmem>>, vector<1x16xf32>,
    }
    %scan3A_5 = arith.constant 128 : i32
    %mul3A_6 = arith.constant 640 : i32
    %mul3A_7 = arith.muli %arg1, %mul3A_6 : i32
    %add3A_8 = arith.constant 0 : i32
    %add3A_9 = arith.addi %mul3A_7, %add3A_8 : i32
    "tpu.region"() ({
      %run_scoped3A = tpu.sem_alloc : memref<!tpu.dma_semaphore, #tpu.memory_space<semaphore_mem>>
      %dma_start3A = arith.constant 0 : i32
      %dma_start3A_36 = tpu.memref_slice %arg10[%add3A_9, %dma_start3A] : memref<10240x128xf32, #tpu.memory_space<vmem_shared>> -> memref<128x128xf32, #tpu.memory_space<vmem_shared>>
      %dma_start3A_37 = arith.constant 0 : i32
      %dma_start3A_38 = tpu.memref_slice %arg10[%add3A_9, %dma_start3A_37] : memref<10240x128xf32, #tpu.memory_space<vmem_shared>> -> memref<128x128xf32, #tpu.memory_space<vmem_shared>>
      tpu.enqueue_dma source(%arg9 : memref<128x128xf32, #tpu.memory_space<vmem>>) target(%dma_start3A_38 : memref<128x128xf32, #tpu.memory_space<vmem_shared>>) target_semaphore(%run_scoped3A : memref<!tpu.dma_semaphore, #tpu.memory_space<semaphore_mem>>)
      %dma_wait3A = arith.constant 0 : i32
      %dma_wait3A_39 = tpu.memref_slice %arg10[%add3A_9, %dma_wait3A] : memref<10240x128xf32, #tpu.memory_space<vmem_shared>> -> memref<128x128xf32, #tpu.memory_space<vmem_shared>>
      %dma_wait3A_40 = arith.constant 0 : i32
      %dma_wait3A_41 = tpu.memref_slice %arg10[%add3A_9, %dma_wait3A_40] : memref<10240x128xf32, #tpu.memory_space<vmem_shared>> -> memref<128x128xf32, #tpu.memory_space<vmem_shared>>
      tpu.wait_dma2 semaphore(%run_scoped3A : memref<!tpu.dma_semaphore, #tpu.memory_space<semaphore_mem>>) src(%arg9 : memref<128x128xf32, #tpu.memory_space<vmem>>) dst(%dma_wait3A_41 : memref<128x128xf32, #tpu.memory_space<vmem_shared>>)
      tpu.yield
    }) : () -> ()
    %add3A_10 = arith.constant 128 : i32
    %add3A_11 = arith.addi %mul3A_7, %add3A_10 : i32
    "tpu.region"() ({
      %run_scoped3A = tpu.sem_alloc : memref<!tpu.dma_semaphore, #tpu.memory_space<semaphore_mem>>
      %dma_start3A = arith.constant 0 : i32
      %dma_start3A_36 = tpu.memref_slice %arg10[%add3A_11, %dma_start3A] : memref<10240x128xf32, #tpu.memory_space<vmem_shared>> -> memref<128x128xf32, #tpu.memory_space<vmem_shared>>
      %dma_start3A_37 = arith.constant 0 : i32
      %dma_start3A_38 = tpu.memref_slice %arg10[%add3A_11, %dma_start3A_37] : memref<10240x128xf32, #tpu.memory_space<vmem_shared>> -> memref<128x128xf32, #tpu.memory_space<vmem_shared>>
      tpu.enqueue_dma source(%arg9 : memref<128x128xf32, #tpu.memory_space<vmem>>) target(%dma_start3A_38 : memref<128x128xf32, #tpu.memory_space<vmem_shared>>) target_semaphore(%run_scoped3A : memref<!tpu.dma_semaphore, #tpu.memory_space<semaphore_mem>>)
      %dma_wait3A = arith.constant 0 : i32
      %dma_wait3A_39 = tpu.memref_slice %arg10[%add3A_11, %dma_wait3A] : memref<10240x128xf32, #tpu.memory_space<vmem_shared>> -> memref<128x128xf32, #tpu.memory_space<vmem_shared>>
      %dma_wait3A_40 = arith.constant 0 : i32
      %dma_wait3A_41 = tpu.memref_slice %arg10[%add3A_11, %dma_wait3A_40] : memref<10240x128xf32, #tpu.memory_space<vmem_shared>> -> memref<128x128xf32, #tpu.memory_space<vmem_shared>>
      tpu.wait_dma2 semaphore(%run_scoped3A : memref<!tpu.dma_semaphore, #tpu.memory_space<semaphore_mem>>) src(%arg9 : memref<128x128xf32, #tpu.memory_space<vmem>>) dst(%dma_wait3A_41 : memref<128x128xf32, #tpu.memory_space<vmem_shared>>)
      tpu.yield
    }) : () -> ()
    %add3A_12 = arith.constant 256 : i32
    %add3A_13 = arith.addi %mul3A_7, %add3A_12 : i32
    "tpu.region"() ({
      %run_scoped3A = tpu.sem_alloc : memref<!tpu.dma_semaphore, #tpu.memory_space<semaphore_mem>>
      %dma_start3A = arith.constant 0 : i32
      %dma_start3A_36 = tpu.memref_slice %arg10[%add3A_13, %dma_start3A] : memref<10240x128xf32, #tpu.memory_space<vmem_shared>> -> memref<128x128xf32, #tpu.memory_space<vmem_shared>>
      %dma_start3A_37 = arith.constant 0 : i32
      %dma_start3A_38 = tpu.memref_slice %arg10[%add3A_13, %dma_start3A_37] : memref<10240x128xf32, #tpu.memory_space<vmem_shared>> -> memref<128x128xf32, #tpu.memory_space<vmem_shared>>
      tpu.enqueue_dma source(%arg9 : memref<128x128xf32, #tpu.memory_space<vmem>>) target(%dma_start3A_38 : memref<128x128xf32, #tpu.memory_space<vmem_shared>>) target_semaphore(%run_scoped3A : memref<!tpu.dma_semaphore, #tpu.memory_space<semaphore_mem>>)
      %dma_wait3A = arith.constant 0 : i32
      %dma_wait3A_39 = tpu.memref_slice %arg10[%add3A_13, %dma_wait3A] : memref<10240x128xf32, #tpu.memory_space<vmem_shared>> -> memref<128x128xf32, #tpu.memory_space<vmem_shared>>
      %dma_wait3A_40 = arith.constant 0 : i32
      %dma_wait3A_41 = tpu.memref_slice %arg10[%add3A_13, %dma_wait3A_40] : memref<10240x128xf32, #tpu.memory_space<vmem_shared>> -> memref<128x128xf32, #tpu.memory_space<vmem_shared>>
      tpu.wait_dma2 semaphore(%run_scoped3A : memref<!tpu.dma_semaphore, #tpu.memory_space<semaphore_mem>>) src(%arg9 : memref<128x128xf32, #tpu.memory_space<vmem>>) dst(%dma_wait3A_41 : memref<128x128xf32, #tpu.memory_space<vmem_shared>>)
      tpu.yield
    }) : () -> ()
    %add3A_14 = arith.constant 384 : i32
    %add3A_15 = arith.addi %mul3A_7, %add3A_14 : i32
    "tpu.region"() ({
      %run_scoped3A = tpu.sem_alloc : memref<!tpu.dma_semaphore, #tpu.memory_space<semaphore_mem>>
      %dma_start3A = arith.constant 0 : i32
      %dma_start3A_36 = tpu.memref_slice %arg10[%add3A_15, %dma_start3A] : memref<10240x128xf32, #tpu.memory_space<vmem_shared>> -> memref<128x128xf32, #tpu.memory_space<vmem_shared>>
      %dma_start3A_37 = arith.constant 0 : i32
      %dma_start3A_38 = tpu.memref_slice %arg10[%add3A_15, %dma_start3A_37] : memref<10240x128xf32, #tpu.memory_space<vmem_shared>> -> memref<128x128xf32, #tpu.memory_space<vmem_shared>>
      tpu.enqueue_dma source(%arg9 : memref<128x128xf32, #tpu.memory_space<vmem>>) target(%dma_start3A_38 : memref<128x128xf32, #tpu.memory_space<vmem_shared>>) target_semaphore(%run_scoped3A : memref<!tpu.dma_semaphore, #tpu.memory_space<semaphore_mem>>)
      %dma_wait3A = arith.constant 0 : i32
      %dma_wait3A_39 = tpu.memref_slice %arg10[%add3A_15, %dma_wait3A] : memref<10240x128xf32, #tpu.memory_space<vmem_shared>> -> memref<128x128xf32, #tpu.memory_space<vmem_shared>>
      %dma_wait3A_40 = arith.constant 0 : i32
      %dma_wait3A_41 = tpu.memref_slice %arg10[%add3A_15, %dma_wait3A_40] : memref<10240x128xf32, #tpu.memory_space<vmem_shared>> -> memref<128x128xf32, #tpu.memory_space<vmem_shared>>
      tpu.wait_dma2 semaphore(%run_scoped3A : memref<!tpu.dma_semaphore, #tpu.memory_space<semaphore_mem>>) src(%arg9 : memref<128x128xf32, #tpu.memory_space<vmem>>) dst(%dma_wait3A_41 : memref<128x128xf32, #tpu.memory_space<vmem_shared>>)
      tpu.yield
    }) : () -> ()
    %add3A_16 = arith.constant 512 : i32
    %add3A_17 = arith.addi %mul3A_7, %add3A_16 : i32
    "tpu.region"() ({
      %run_scoped3A = tpu.sem_alloc : memref<!tpu.dma_semaphore, #tpu.memory_space<semaphore_mem>>
      %dma_start3A = arith.constant 0 : i32
      %dma_start3A_36 = tpu.memref_slice %arg10[%add3A_17, %dma_start3A] : memref<10240x128xf32, #tpu.memory_space<vmem_shared>> -> memref<128x128xf32, #tpu.memory_space<vmem_shared>>
      %dma_start3A_37 = arith.constant 0 : i32
      %dma_start3A_38 = tpu.memref_slice %arg10[%add3A_17, %dma_start3A_37] : memref<10240x128xf32, #tpu.memory_space<vmem_shared>> -> memref<128x128xf32, #tpu.memory_space<vmem_shared>>
      tpu.enqueue_dma source(%arg9 : memref<128x128xf32, #tpu.memory_space<vmem>>) target(%dma_start3A_38 : memref<128x128xf32, #tpu.memory_space<vmem_shared>>) target_semaphore(%run_scoped3A : memref<!tpu.dma_semaphore, #tpu.memory_space<semaphore_mem>>)
      %dma_wait3A = arith.constant 0 : i32
      %dma_wait3A_39 = tpu.memref_slice %arg10[%add3A_17, %dma_wait3A] : memref<10240x128xf32, #tpu.memory_space<vmem_shared>> -> memref<128x128xf32, #tpu.memory_space<vmem_shared>>
      %dma_wait3A_40 = arith.constant 0 : i32
      %dma_wait3A_41 = tpu.memref_slice %arg10[%add3A_17, %dma_wait3A_40] : memref<10240x128xf32, #tpu.memory_space<vmem_shared>> -> memref<128x128xf32, #tpu.memory_space<vmem_shared>>
      tpu.wait_dma2 semaphore(%run_scoped3A : memref<!tpu.dma_semaphore, #tpu.memory_space<semaphore_mem>>) src(%arg9 : memref<128x128xf32, #tpu.memory_space<vmem>>) dst(%dma_wait3A_41 : memref<128x128xf32, #tpu.memory_space<vmem_shared>>)
      tpu.yield
    }) : () -> ()
    %barrier3A = arith.constant 0 : index
    tpu.barrier barrier_id(%barrier3A)
    %mul3A_18 = arith.constant 80 : i32
    %mul3A_19 = arith.muli %add3A, %mul3A_18 : i32
    "tpu.region"() ({
      %run_scoped3A = tpu.sem_alloc : memref<!tpu.dma_semaphore, #tpu.memory_space<semaphore_mem>>
      %dma_start3A = arith.constant 0 : i32
      %dma_start3A_36 = tpu.memref_slice %arg3[%mul3A_19, %dma_start3A] : memref<2560x128xi32, #tpu.memory_space<hbm>> -> memref<80x128xi32, #tpu.memory_space<hbm>>
      %dma_start3A_37 = arith.constant 0 : i32
      %dma_start3A_38 = tpu.memref_slice %arg3[%mul3A_19, %dma_start3A_37] : memref<2560x128xi32, #tpu.memory_space<hbm>> -> memref<80x128xi32, #tpu.memory_space<hbm>>
      tpu.enqueue_dma source(%dma_start3A_38 : memref<80x128xi32, #tpu.memory_space<hbm>>) target(%arg7 : memref<80x128xi32, #tpu.memory_space<vmem>>) target_semaphore(%run_scoped3A : memref<!tpu.dma_semaphore, #tpu.memory_space<semaphore_mem>>)
      %dma_wait3A = arith.constant 0 : i32
      %dma_wait3A_39 = tpu.memref_slice %arg3[%mul3A_19, %dma_wait3A] : memref<2560x128xi32, #tpu.memory_space<hbm>> -> memref<80x128xi32, #tpu.memory_space<hbm>>
      %dma_wait3A_40 = arith.constant 0 : i32
      %dma_wait3A_41 = tpu.memref_slice %arg3[%mul3A_19, %dma_wait3A_40] : memref<2560x128xi32, #tpu.memory_space<hbm>> -> memref<80x128xi32, #tpu.memory_space<hbm>>
      tpu.wait_dma2 semaphore(%run_scoped3A : memref<!tpu.dma_semaphore, #tpu.memory_space<semaphore_mem>>) src(%dma_wait3A_41 : memref<80x128xi32, #tpu.memory_space<hbm>>) dst(%arg7 : memref<80x128xi32, #tpu.memory_space<vmem>>)
      tpu.yield
    }) : () -> ()
    %mul3A_20 = arith.constant 80 : i32
    %mul3A_21 = arith.muli %add3A, %mul3A_20 : i32
    "tpu.region"() ({
      %run_scoped3A = tpu.sem_alloc : memref<!tpu.dma_semaphore, #tpu.memory_space<semaphore_mem>>
      %dma_start3A = arith.constant 0 : i32
      %dma_start3A_36 = tpu.memref_slice %arg4[%mul3A_21, %dma_start3A] : memref<2560x128xi32, #tpu.memory_space<hbm>> -> memref<80x128xi32, #tpu.memory_space<hbm>>
      %dma_start3A_37 = arith.constant 0 : i32
      %dma_start3A_38 = tpu.memref_slice %arg4[%mul3A_21, %dma_start3A_37] : memref<2560x128xi32, #tpu.memory_space<hbm>> -> memref<80x128xi32, #tpu.memory_space<hbm>>
      tpu.enqueue_dma source(%dma_start3A_38 : memref<80x128xi32, #tpu.memory_space<hbm>>) target(%arg8 : memref<80x128xi32, #tpu.memory_space<vmem>>) target_semaphore(%run_scoped3A : memref<!tpu.dma_semaphore, #tpu.memory_space<semaphore_mem>>)
      %dma_wait3A = arith.constant 0 : i32
      %dma_wait3A_39 = tpu.memref_slice %arg4[%mul3A_21, %dma_wait3A] : memref<2560x128xi32, #tpu.memory_space<hbm>> -> memref<80x128xi32, #tpu.memory_space<hbm>>
      %dma_wait3A_40 = arith.constant 0 : i32
      %dma_wait3A_41 = tpu.memref_slice %arg4[%mul3A_21, %dma_wait3A_40] : memref<2560x128xi32, #tpu.memory_space<hbm>> -> memref<80x128xi32, #tpu.memory_space<hbm>>
      tpu.wait_dma2 semaphore(%run_scoped3A : memref<!tpu.dma_semaphore, #tpu.memory_space<semaphore_mem>>) src(%dma_wait3A_41 : memref<80x128xi32, #tpu.memory_space<hbm>>) dst(%arg8 : memref<80x128xi32, #tpu.memory_space<vmem>>)
      tpu.yield
    }) : () -> ()
    %scan3A_22 = arith.constant 0 : i32
    %scan3A_23 = arith.constant 0 : i32
    %scan3A_24 = arith.constant 80 : i32
    %scan3A_25 = arith.addi %scan3A_23, %scan3A_24 : i32
    %scan3A_26 = arith.constant 1 : i32
    scf.for %scan3A_36 = %scan3A_23 to %scan3A_25 step %scan3A_26  : i32 {
      "tpu.region"() ({
        %run_scoped3A = tpu.sem_alloc : memref<!tpu.dma_semaphore, #tpu.memory_space<semaphore_mem>>
        %dma_start3A = arith.constant 0 : i32
        %dma_start3A_37 = tpu.memref_slice %arg7[%scan3A_36, %dma_start3A] : memref<80x128xi32, #tpu.memory_space<vmem>> -> memref<1x128xi32, #tpu.memory_space<vmem>>
        %dma_start3A_38 = tpu.memref_squeeze %dma_start3A_37 : memref<1x128xi32, #tpu.memory_space<vmem>> -> memref<128xi32, #tpu.memory_space<vmem>>
        %dma_start3A_39 = arith.constant 0 : i32
        %dma_start3A_40 = arith.constant 0 : i32
        %dma_start3A_41 = tpu.memref_slice %arg2[%dma_start3A_39, %dma_start3A_40] : memref<10000x128xf32, #tpu.memory_space<hbm>> -> memref<10000x128xf32, #tpu.memory_space<hbm>>
        tpu.enqueue_indirect_dma source(%dma_start3A_41 : memref<10000x128xf32, #tpu.memory_space<hbm>>) target(%arg9 : memref<128x128xf32, #tpu.memory_space<vmem>>) offsets(%dma_start3A_38 : memref<128xi32, #tpu.memory_space<vmem>>) semaphore(%run_scoped3A : memref<!tpu.dma_semaphore, #tpu.memory_space<semaphore_mem>>)
        %dma_wait3A = arith.constant 0 : i32
        %dma_wait3A_42 = tpu.memref_slice %arg7[%scan3A_36, %dma_wait3A] : memref<80x128xi32, #tpu.memory_space<vmem>> -> memref<1x128xi32, #tpu.memory_space<vmem>>
        %dma_wait3A_43 = tpu.memref_squeeze %dma_wait3A_42 : memref<1x128xi32, #tpu.memory_space<vmem>> -> memref<128xi32, #tpu.memory_space<vmem>>
        %dma_wait3A_44 = arith.constant 0 : i32
        %dma_wait3A_45 = arith.constant 0 : i32
        %dma_wait3A_46 = tpu.memref_slice %arg2[%dma_wait3A_44, %dma_wait3A_45] : memref<10000x128xf32, #tpu.memory_space<hbm>> -> memref<10000x128xf32, #tpu.memory_space<hbm>>
        tpu.wait_indirect_dma semaphore(%run_scoped3A : memref<!tpu.dma_semaphore, #tpu.memory_space<semaphore_mem>>) src(%dma_wait3A_46 : memref<10000x128xf32, #tpu.memory_space<hbm>>) dst(%arg9 : memref<128x128xf32, #tpu.memory_space<vmem>>)
        tpu.yield
      }) : () -> ()
      "tpu.region"() ({
        %run_scoped3A = tpu.sem_alloc : memref<!tpu.dma_semaphore, #tpu.memory_space<semaphore_mem>>
        %dma_start3A = arith.constant 0 : i32
        %dma_start3A_37 = tpu.memref_slice %arg8[%scan3A_36, %dma_start3A] : memref<80x128xi32, #tpu.memory_space<vmem>> -> memref<1x128xi32, #tpu.memory_space<vmem>>
        %dma_start3A_38 = tpu.memref_squeeze %dma_start3A_37 : memref<1x128xi32, #tpu.memory_space<vmem>> -> memref<128xi32, #tpu.memory_space<vmem>>
        %dma_start3A_39 = arith.constant 0 : i32
        %dma_start3A_40 = arith.constant 0 : i32
        %dma_start3A_41 = tpu.memref_slice %arg10[%dma_start3A_39, %dma_start3A_40] : memref<10240x128xf32, #tpu.memory_space<vmem_shared>> -> memref<10240x128xf32, #tpu.memory_space<vmem_shared>>
        tpu.enqueue_indirect_dma source(%arg9 : memref<128x128xf32, #tpu.memory_space<vmem>>) target(%dma_start3A_41 : memref<10240x128xf32, #tpu.memory_space<vmem_shared>>) offsets(%dma_start3A_38 : memref<128xi32, #tpu.memory_space<vmem>>) semaphore(%run_scoped3A : memref<!tpu.dma_semaphore, #tpu.memory_space<semaphore_mem>>) {add = true}
        %dma_wait3A = arith.constant 0 : i32
        %dma_wait3A_42 = tpu.memref_slice %arg8[%scan3A_36, %dma_wait3A] : memref<80x128xi32, #tpu.memory_space<vmem>> -> memref<1x128xi32, #tpu.memory_space<vmem>>
        %dma_wait3A_43 = tpu.memref_squeeze %dma_wait3A_42 : memref<1x128xi32, #tpu.memory_space<vmem>> -> memref<128xi32, #tpu.memory_space<vmem>>
        %dma_wait3A_44 = arith.constant 0 : i32
        %dma_wait3A_45 = arith.constant 0 : i32
        %dma_wait3A_46 = tpu.memref_slice %arg10[%dma_wait3A_44, %dma_wait3A_45] : memref<10240x128xf32, #tpu.memory_space<vmem_shared>> -> memref<10240x128xf32, #tpu.memory_space<vmem_shared>>
        tpu.wait_indirect_dma semaphore(%run_scoped3A : memref<!tpu.dma_semaphore, #tpu.memory_space<semaphore_mem>>) src(%arg9 : memref<128x128xf32, #tpu.memory_space<vmem>>) dst(%dma_wait3A_46 : memref<10240x128xf32, #tpu.memory_space<vmem_shared>>)
        tpu.yield
      }) : () -> ()
    }
    %scan3A_27 = arith.constant 80 : i32
    %barrier3A_28 = arith.constant 0 : index
    tpu.barrier barrier_id(%barrier3A_28)
    %eq3A = arith.constant 0 : i32
    %eq3A_29 = arith.cmpi eq, %arg0, %eq3A : i32
    %convert_element_type3A = arith.extui %eq3A_29 : i1 to i32
    %cond3A = arith.constant 0 : i32
    %cond3A_30 = arith.cmpi ne, %convert_element_type3A, %cond3A : i32
    scf.if %cond3A_30 {
      %add3A_36 = arith.constant 0 : i32
      %add3A_37 = arith.addi %mul3A_7, %add3A_36 : i32
      %lt3A = arith.constant 10000 : i32
      %lt3A_38 = arith.cmpi slt, %add3A_37, %lt3A : i32
      %convert_element_type3A_39 = arith.extui %lt3A_38 : i1 to i32
      %cond3A_40 = arith.constant 0 : i32
      %cond3A_41 = arith.cmpi ne, %convert_element_type3A_39, %cond3A_40 : i32
      scf.if %cond3A_41 {
        %add3A_91 = arith.constant 0 : i32
        %add3A_92 = arith.addi %mul3A_7, %add3A_91 : i32
        %add3A_93 = arith.constant 0 : i32
        %add3A_94 = arith.addi %mul3A_7, %add3A_93 : i32
        "tpu.region"() ({
          %run_scoped3A = tpu.sem_alloc : memref<!tpu.dma_semaphore, #tpu.memory_space<semaphore_mem>>
          %dma_start3A = arith.constant 0 : i32
          %dma_start3A_95 = tpu.memref_slice %arg5[%add3A_94, %dma_start3A] : memref<10000x128xf32, #tpu.memory_space<hbm>> -> memref<80x128xf32, #tpu.memory_space<hbm>>
          %dma_start3A_96 = arith.constant 0 : i32
          %dma_start3A_97 = tpu.memref_slice %arg10[%add3A_92, %dma_start3A_96] : memref<10240x128xf32, #tpu.memory_space<vmem_shared>> -> memref<80x128xf32, #tpu.memory_space<vmem_shared>>
          tpu.enqueue_dma source(%dma_start3A_97 : memref<80x128xf32, #tpu.memory_space<vmem_shared>>) target(%dma_start3A_95 : memref<80x128xf32, #tpu.memory_space<hbm>>) target_semaphore(%run_scoped3A : memref<!tpu.dma_semaphore, #tpu.memory_space<semaphore_mem>>)
          %dma_wait3A = arith.constant 0 : i32
          %dma_wait3A_98 = tpu.memref_slice %arg5[%add3A_94, %dma_wait3A] : memref<10000x128xf32, #tpu.memory_space<hbm>> -> memref<80x128xf32, #tpu.memory_space<hbm>>
          %dma_wait3A_99 = arith.constant 0 : i32
          %dma_wait3A_100 = tpu.memref_slice %arg10[%add3A_92, %dma_wait3A_99] : memref<10240x128xf32, #tpu.memory_space<vmem_shared>> -> memref<80x128xf32, #tpu.memory_space<vmem_shared>>
          tpu.wait_dma2 semaphore(%run_scoped3A : memref<!tpu.dma_semaphore, #tpu.memory_space<semaphore_mem>>) src(%dma_wait3A_100 : memref<80x128xf32, #tpu.memory_space<vmem_shared>>) dst(%dma_wait3A_98 : memref<80x128xf32, #tpu.memory_space<hbm>>)
          tpu.yield
        }) : () -> ()
      } else {
      }
      %add3A_42 = arith.constant 80 : i32
      %add3A_43 = arith.addi %mul3A_7, %add3A_42 : i32
      %lt3A_44 = arith.constant 10000 : i32
      %lt3A_45 = arith.cmpi slt, %add3A_43, %lt3A_44 : i32
      %convert_element_type3A_46 = arith.extui %lt3A_45 : i1 to i32
      %cond3A_47 = arith.constant 0 : i32
      %cond3A_48 = arith.cmpi ne, %convert_element_type3A_46, %cond3A_47 : i32
      scf.if %cond3A_48 {
        %add3A_91 = arith.constant 80 : i32
        %add3A_92 = arith.addi %mul3A_7, %add3A_91 : i32
        %add3A_93 = arith.constant 80 : i32
        %add3A_94 = arith.addi %mul3A_7, %add3A_93 : i32
        "tpu.region"() ({
          %run_scoped3A = tpu.sem_alloc : memref<!tpu.dma_semaphore, #tpu.memory_space<semaphore_mem>>
          %dma_start3A = arith.constant 0 : i32
          %dma_start3A_95 = tpu.memref_slice %arg5[%add3A_94, %dma_start3A] : memref<10000x128xf32, #tpu.memory_space<hbm>> -> memref<80x128xf32, #tpu.memory_space<hbm>>
          %dma_start3A_96 = arith.constant 0 : i32
          %dma_start3A_97 = tpu.memref_slice %arg10[%add3A_92, %dma_start3A_96] : memref<10240x128xf32, #tpu.memory_space<vmem_shared>> -> memref<80x128xf32, #tpu.memory_space<vmem_shared>>
          tpu.enqueue_dma source(%dma_start3A_97 : memref<80x128xf32, #tpu.memory_space<vmem_shared>>) target(%dma_start3A_95 : memref<80x128xf32, #tpu.memory_space<hbm>>) target_semaphore(%run_scoped3A : memref<!tpu.dma_semaphore, #tpu.memory_space<semaphore_mem>>)
          %dma_wait3A = arith.constant 0 : i32
          %dma_wait3A_98 = tpu.memref_slice %arg5[%add3A_94, %dma_wait3A] : memref<10000x128xf32, #tpu.memory_space<hbm>> -> memref<80x128xf32, #tpu.memory_space<hbm>>
          %dma_wait3A_99 = arith.constant 0 : i32
          %dma_wait3A_100 = tpu.memref_slice %arg10[%add3A_92, %dma_wait3A_99] : memref<10240x128xf32, #tpu.memory_space<vmem_shared>> -> memref<80x128xf32, #tpu.memory_space<vmem_shared>>
          tpu.wait_dma2 semaphore(%run_scoped3A : memref<!tpu.dma_semaphore, #tpu.memory_space<semaphore_mem>>) src(%dma_wait3A_100 : memref<80x128xf32, #tpu.memory_space<vmem_shared>>) dst(%dma_wait3A_98 : memref<80x128xf32, #tpu.memory_space<hbm>>)
          tpu.yield
        }) : () -> ()
      } else {
      }
      %add3A_49 = arith.constant 160 : i32
      %add3A_50 = arith.addi %mul3A_7, %add3A_49 : i32
      %lt3A_51 = arith.constant 10000 : i32
      %lt3A_52 = arith.cmpi slt, %add3A_50, %lt3A_51 : i32
      %convert_element_type3A_53 = arith.extui %lt3A_52 : i1 to i32
      %cond3A_54 = arith.constant 0 : i32
      %cond3A_55 = arith.cmpi ne, %convert_element_type3A_53, %cond3A_54 : i32
      scf.if %cond3A_55 {
        %add3A_91 = arith.constant 160 : i32
        %add3A_92 = arith.addi %mul3A_7, %add3A_91 : i32
        %add3A_93 = arith.constant 160 : i32
        %add3A_94 = arith.addi %mul3A_7, %add3A_93 : i32
        "tpu.region"() ({
          %run_scoped3A = tpu.sem_alloc : memref<!tpu.dma_semaphore, #tpu.memory_space<semaphore_mem>>
          %dma_start3A = arith.constant 0 : i32
          %dma_start3A_95 = tpu.memref_slice %arg5[%add3A_94, %dma_start3A] : memref<10000x128xf32, #tpu.memory_space<hbm>> -> memref<80x128xf32, #tpu.memory_space<hbm>>
          %dma_start3A_96 = arith.constant 0 : i32
          %dma_start3A_97 = tpu.memref_slice %arg10[%add3A_92, %dma_start3A_96] : memref<10240x128xf32, #tpu.memory_space<vmem_shared>> -> memref<80x128xf32, #tpu.memory_space<vmem_shared>>
          tpu.enqueue_dma source(%dma_start3A_97 : memref<80x128xf32, #tpu.memory_space<vmem_shared>>) target(%dma_start3A_95 : memref<80x128xf32, #tpu.memory_space<hbm>>) target_semaphore(%run_scoped3A : memref<!tpu.dma_semaphore, #tpu.memory_space<semaphore_mem>>)
          %dma_wait3A = arith.constant 0 : i32
          %dma_wait3A_98 = tpu.memref_slice %arg5[%add3A_94, %dma_wait3A] : memref<10000x128xf32, #tpu.memory_space<hbm>> -> memref<80x128xf32, #tpu.memory_space<hbm>>
          %dma_wait3A_99 = arith.constant 0 : i32
          %dma_wait3A_100 = tpu.memref_slice %arg10[%add3A_92, %dma_wait3A_99] : memref<10240x128xf32, #tpu.memory_space<vmem_shared>> -> memref<80x128xf32, #tpu.memory_space<vmem_shared>>
          tpu.wait_dma2 semaphore(%run_scoped3A : memref<!tpu.dma_semaphore, #tpu.memory_space<semaphore_mem>>) src(%dma_wait3A_100 : memref<80x128xf32, #tpu.memory_space<vmem_shared>>) dst(%dma_wait3A_98 : memref<80x128xf32, #tpu.memory_space<hbm>>)
          tpu.yield
        }) : () -> ()
      } else {
      }
      %add3A_56 = arith.constant 240 : i32
      %add3A_57 = arith.addi %mul3A_7, %add3A_56 : i32
      %lt3A_58 = arith.constant 10000 : i32
      %lt3A_59 = arith.cmpi slt, %add3A_57, %lt3A_58 : i32
      %convert_element_type3A_60 = arith.extui %lt3A_59 : i1 to i32
      %cond3A_61 = arith.constant 0 : i32
      %cond3A_62 = arith.cmpi ne, %convert_element_type3A_60, %cond3A_61 : i32
      scf.if %cond3A_62 {
        %add3A_91 = arith.constant 240 : i32
        %add3A_92 = arith.addi %mul3A_7, %add3A_91 : i32
        %add3A_93 = arith.constant 240 : i32
        %add3A_94 = arith.addi %mul3A_7, %add3A_93 : i32
        "tpu.region"() ({
          %run_scoped3A = tpu.sem_alloc : memref<!tpu.dma_semaphore, #tpu.memory_space<semaphore_mem>>
          %dma_start3A = arith.constant 0 : i32
          %dma_start3A_95 = tpu.memref_slice %arg5[%add3A_94, %dma_start3A] : memref<10000x128xf32, #tpu.memory_space<hbm>> -> memref<80x128xf32, #tpu.memory_space<hbm>>
          %dma_start3A_96 = arith.constant 0 : i32
          %dma_start3A_97 = tpu.memref_slice %arg10[%add3A_92, %dma_start3A_96] : memref<10240x128xf32, #tpu.memory_space<vmem_shared>> -> memref<80x128xf32, #tpu.memory_space<vmem_shared>>
          tpu.enqueue_dma source(%dma_start3A_97 : memref<80x128xf32, #tpu.memory_space<vmem_shared>>) target(%dma_start3A_95 : memref<80x128xf32, #tpu.memory_space<hbm>>) target_semaphore(%run_scoped3A : memref<!tpu.dma_semaphore, #tpu.memory_space<semaphore_mem>>)
          %dma_wait3A = arith.constant 0 : i32
          %dma_wait3A_98 = tpu.memref_slice %arg5[%add3A_94, %dma_wait3A] : memref<10000x128xf32, #tpu.memory_space<hbm>> -> memref<80x128xf32, #tpu.memory_space<hbm>>
          %dma_wait3A_99 = arith.constant 0 : i32
          %dma_wait3A_100 = tpu.memref_slice %arg10[%add3A_92, %dma_wait3A_99] : memref<10240x128xf32, #tpu.memory_space<vmem_shared>> -> memref<80x128xf32, #tpu.memory_space<vmem_shared>>
          tpu.wait_dma2 semaphore(%run_scoped3A : memref<!tpu.dma_semaphore, #tpu.memory_space<semaphore_mem>>) src(%dma_wait3A_100 : memref<80x128xf32, #tpu.memory_space<vmem_shared>>) dst(%dma_wait3A_98 : memref<80x128xf32, #tpu.memory_space<hbm>>)
          tpu.yield
        }) : () -> ()
      } else {
      }
      %add3A_63 = arith.constant 320 : i32
      %add3A_64 = arith.addi %mul3A_7, %add3A_63 : i32
      %lt3A_65 = arith.constant 10000 : i32
      %lt3A_66 = arith.cmpi slt, %add3A_64, %lt3A_65 : i32
      %convert_element_type3A_67 = arith.extui %lt3A_66 : i1 to i32
      %cond3A_68 = arith.constant 0 : i32
      %cond3A_69 = arith.cmpi ne, %convert_element_type3A_67, %cond3A_68 : i32
      scf.if %cond3A_69 {
        %add3A_91 = arith.constant 320 : i32
        %add3A_92 = arith.addi %mul3A_7, %add3A_91 : i32
        %add3A_93 = arith.constant 320 : i32
        %add3A_94 = arith.addi %mul3A_7, %add3A_93 : i32
        "tpu.region"() ({
          %run_scoped3A = tpu.sem_alloc : memref<!tpu.dma_semaphore, #tpu.memory_space<semaphore_mem>>
          %dma_start3A = arith.constant 0 : i32
          %dma_start3A_95 = tpu.memref_slice %arg5[%add3A_94, %dma_start3A] : memref<10000x128xf32, #tpu.memory_space<hbm>> -> memref<80x128xf32, #tpu.memory_space<hbm>>
          %dma_start3A_96 = arith.constant 0 : i32
          %dma_start3A_97 = tpu.memref_slice %arg10[%add3A_92, %dma_start3A_96] : memref<10240x128xf32, #tpu.memory_space<vmem_shared>> -> memref<80x128xf32, #tpu.memory_space<vmem_shared>>
          tpu.enqueue_dma source(%dma_start3A_97 : memref<80x128xf32, #tpu.memory_space<vmem_shared>>) target(%dma_start3A_95 : memref<80x128xf32, #tpu.memory_space<hbm>>) target_semaphore(%run_scoped3A : memref<!tpu.dma_semaphore, #tpu.memory_space<semaphore_mem>>)
          %dma_wait3A = arith.constant 0 : i32
          %dma_wait3A_98 = tpu.memref_slice %arg5[%add3A_94, %dma_wait3A] : memref<10000x128xf32, #tpu.memory_space<hbm>> -> memref<80x128xf32, #tpu.memory_space<hbm>>
          %dma_wait3A_99 = arith.constant 0 : i32
          %dma_wait3A_100 = tpu.memref_slice %arg10[%add3A_92, %dma_wait3A_99] : memref<10240x128xf32, #tpu.memory_space<vmem_shared>> -> memref<80x128xf32, #tpu.memory_space<vmem_shared>>
          tpu.wait_dma2 semaphore(%run_scoped3A : memref<!tpu.dma_semaphore, #tpu.memory_space<semaphore_mem>>) src(%dma_wait3A_100 : memref<80x128xf32, #tpu.memory_space<vmem_shared>>) dst(%dma_wait3A_98 : memref<80x128xf32, #tpu.memory_space<hbm>>)
          tpu.yield
        }) : () -> ()
      } else {
      }
      %add3A_70 = arith.constant 400 : i32
      %add3A_71 = arith.addi %mul3A_7, %add3A_70 : i32
      %lt3A_72 = arith.constant 10000 : i32
      %lt3A_73 = arith.cmpi slt, %add3A_71, %lt3A_72 : i32
      %convert_element_type3A_74 = arith.extui %lt3A_73 : i1 to i32
      %cond3A_75 = arith.constant 0 : i32
      %cond3A_76 = arith.cmpi ne, %convert_element_type3A_74, %cond3A_75 : i32
      scf.if %cond3A_76 {
        %add3A_91 = arith.constant 400 : i32
        %add3A_92 = arith.addi %mul3A_7, %add3A_91 : i32
        %add3A_93 = arith.constant 400 : i32
        %add3A_94 = arith.addi %mul3A_7, %add3A_93 : i32
        "tpu.region"() ({
          %run_scoped3A = tpu.sem_alloc : memref<!tpu.dma_semaphore, #tpu.memory_space<semaphore_mem>>
          %dma_start3A = arith.constant 0 : i32
          %dma_start3A_95 = tpu.memref_slice %arg5[%add3A_94, %dma_start3A] : memref<10000x128xf32, #tpu.memory_space<hbm>> -> memref<80x128xf32, #tpu.memory_space<hbm>>
          %dma_start3A_96 = arith.constant 0 : i32
          %dma_start3A_97 = tpu.memref_slice %arg10[%add3A_92, %dma_start3A_96] : memref<10240x128xf32, #tpu.memory_space<vmem_shared>> -> memref<80x128xf32, #tpu.memory_space<vmem_shared>>
          tpu.enqueue_dma source(%dma_start3A_97 : memref<80x128xf32, #tpu.memory_space<vmem_shared>>) target(%dma_start3A_95 : memref<80x128xf32, #tpu.memory_space<hbm>>) target_semaphore(%run_scoped3A : memref<!tpu.dma_semaphore, #tpu.memory_space<semaphore_mem>>)
          %dma_wait3A = arith.constant 0 : i32
          %dma_wait3A_98 = tpu.memref_slice %arg5[%add3A_94, %dma_wait3A] : memref<10000x128xf32, #tpu.memory_space<hbm>> -> memref<80x128xf32, #tpu.memory_space<hbm>>
          %dma_wait3A_99 = arith.constant 0 : i32
          %dma_wait3A_100 = tpu.memref_slice %arg10[%add3A_92, %dma_wait3A_99] : memref<10240x128xf32, #tpu.memory_space<vmem_shared>> -> memref<80x128xf32, #tpu.memory_space<vmem_shared>>
          tpu.wait_dma2 semaphore(%run_scoped3A : memref<!tpu.dma_semaphore, #tpu.memory_space<semaphore_mem>>) src(%dma_wait3A_100 : memref<80x128xf32, #tpu.memory_space<vmem_shared>>) dst(%dma_wait3A_98 : memref<80x128xf32, #tpu.memory_space<hbm>>)
          tpu.yield
        }) : () -> ()
      } else {
      }
      %add3A_77 = arith.constant 480 : i32
      %add3A_78 = arith.addi %mul3A_7, %add3A_77 : i32
      %lt3A_79 = arith.constant 10000 : i32
      %lt3A_80 = arith.cmpi slt, %add3A_78, %lt3A_79 : i32
      %convert_element_type3A_81 = arith.extui %lt3A_80 : i1 to i32
      %cond3A_82 = arith.constant 0 : i32
      %cond3A_83 = arith.cmpi ne, %convert_element_type3A_81, %cond3A_82 : i32
      scf.if %cond3A_83 {
        %add3A_91 = arith.constant 480 : i32
        %add3A_92 = arith.addi %mul3A_7, %add3A_91 : i32
        %add3A_93 = arith.constant 480 : i32
        %add3A_94 = arith.addi %mul3A_7, %add3A_93 : i32
        "tpu.region"() ({
          %run_scoped3A = tpu.sem_alloc : memref<!tpu.dma_semaphore, #tpu.memory_space<semaphore_mem>>
          %dma_start3A = arith.constant 0 : i32
          %dma_start3A_95 = tpu.memref_slice %arg5[%add3A_94, %dma_start3A] : memref<10000x128xf32, #tpu.memory_space<hbm>> -> memref<80x128xf32, #tpu.memory_space<hbm>>
          %dma_start3A_96 = arith.constant 0 : i32
          %dma_start3A_97 = tpu.memref_slice %arg10[%add3A_92, %dma_start3A_96] : memref<10240x128xf32, #tpu.memory_space<vmem_shared>> -> memref<80x128xf32, #tpu.memory_space<vmem_shared>>
          tpu.enqueue_dma source(%dma_start3A_97 : memref<80x128xf32, #tpu.memory_space<vmem_shared>>) target(%dma_start3A_95 : memref<80x128xf32, #tpu.memory_space<hbm>>) target_semaphore(%run_scoped3A : memref<!tpu.dma_semaphore, #tpu.memory_space<semaphore_mem>>)
          %dma_wait3A = arith.constant 0 : i32
          %dma_wait3A_98 = tpu.memref_slice %arg5[%add3A_94, %dma_wait3A] : memref<10000x128xf32, #tpu.memory_space<hbm>> -> memref<80x128xf32, #tpu.memory_space<hbm>>
          %dma_wait3A_99 = arith.constant 0 : i32
          %dma_wait3A_100 = tpu.memref_slice %arg10[%add3A_92, %dma_wait3A_99] : memref<10240x128xf32, #tpu.memory_space<vmem_shared>> -> memref<80x128xf32, #tpu.memory_space<vmem_shared>>
          tpu.wait_dma2 semaphore(%run_scoped3A : memref<!tpu.dma_semaphore, #tpu.memory_space<semaphore_mem>>) src(%dma_wait3A_100 : memref<80x128xf32, #tpu.memory_space<vmem_shared>>) dst(%dma_wait3A_98 : memref<80x128xf32, #tpu.memory_space<hbm>>)
          tpu.yield
        }) : () -> ()
      } else {
      }
      %add3A_84 = arith.constant 560 : i32
      %add3A_85 = arith.addi %mul3A_7, %add3A_84 : i32
      %lt3A_86 = arith.constant 10000 : i32
      %lt3A_87 = arith.cmpi slt, %add3A_85, %lt3A_86 : i32
      %convert_element_type3A_88 = arith.extui %lt3A_87 : i1 to i32
      %cond3A_89 = arith.constant 0 : i32
      %cond3A_90 = arith.cmpi ne, %convert_element_type3A_88, %cond3A_89 : i32
      scf.if %cond3A_90 {
        %add3A_91 = arith.constant 560 : i32
        %add3A_92 = arith.addi %mul3A_7, %add3A_91 : i32
        %add3A_93 = arith.constant 560 : i32
        %add3A_94 = arith.addi %mul3A_7, %add3A_93 : i32
        "tpu.region"() ({
          %run_scoped3A = tpu.sem_alloc : memref<!tpu.dma_semaphore, #tpu.memory_space<semaphore_mem>>
          %dma_start3A = arith.constant 0 : i32
          %dma_start3A_95 = tpu.memref_slice %arg5[%add3A_94, %dma_start3A] : memref<10000x128xf32, #tpu.memory_space<hbm>> -> memref<80x128xf32, #tpu.memory_space<hbm>>
          %dma_start3A_96 = arith.constant 0 : i32
          %dma_start3A_97 = tpu.memref_slice %arg10[%add3A_92, %dma_start3A_96] : memref<10240x128xf32, #tpu.memory_space<vmem_shared>> -> memref<80x128xf32, #tpu.memory_space<vmem_shared>>
          tpu.enqueue_dma source(%dma_start3A_97 : memref<80x128xf32, #tpu.memory_space<vmem_shared>>) target(%dma_start3A_95 : memref<80x128xf32, #tpu.memory_space<hbm>>) target_semaphore(%run_scoped3A : memref<!tpu.dma_semaphore, #tpu.memory_space<semaphore_mem>>)
          %dma_wait3A = arith.constant 0 : i32
          %dma_wait3A_98 = tpu.memref_slice %arg5[%add3A_94, %dma_wait3A] : memref<10000x128xf32, #tpu.memory_space<hbm>> -> memref<80x128xf32, #tpu.memory_space<hbm>>
          %dma_wait3A_99 = arith.constant 0 : i32
          %dma_wait3A_100 = tpu.memref_slice %arg10[%add3A_92, %dma_wait3A_99] : memref<10240x128xf32, #tpu.memory_space<vmem_shared>> -> memref<80x128xf32, #tpu.memory_space<vmem_shared>>
          tpu.wait_dma2 semaphore(%run_scoped3A : memref<!tpu.dma_semaphore, #tpu.memory_space<semaphore_mem>>) src(%dma_wait3A_100 : memref<80x128xf32, #tpu.memory_space<vmem_shared>>) dst(%dma_wait3A_98 : memref<80x128xf32, #tpu.memory_space<hbm>>)
          tpu.yield
        }) : () -> ()
      } else {
      }
    } else {
    }
    %eq3A_31 = arith.constant 1 : i32
    %eq3A_32 = arith.cmpi eq, %arg0, %eq3A_31 : i32
    %convert_element_type3A_33 = arith.extui %eq3A_32 : i1 to i32
    %cond3A_34 = arith.constant 0 : i32
    %cond3A_35 = arith.cmpi ne, %convert_element_type3A_33, %cond3A_34 : i32
    scf.if %cond3A_35 {
      %add3A_36 = arith.constant 0 : i32
      %add3A_37 = arith.addi %mul3A_7, %add3A_36 : i32
      %lt3A = arith.constant 10000 : i32
      %lt3A_38 = arith.cmpi slt, %add3A_37, %lt3A : i32
      %convert_element_type3A_39 = arith.extui %lt3A_38 : i1 to i32
      %cond3A_40 = arith.constant 0 : i32
      %cond3A_41 = arith.cmpi ne, %convert_element_type3A_39, %cond3A_40 : i32
      scf.if %cond3A_41 {
        %add3A_91 = arith.constant 0 : i32
        %add3A_92 = arith.addi %mul3A_7, %add3A_91 : i32
        %add3A_93 = arith.constant 0 : i32
        %add3A_94 = arith.addi %mul3A_7, %add3A_93 : i32
        "tpu.region"() ({
          %run_scoped3A = tpu.sem_alloc : memref<!tpu.dma_semaphore, #tpu.memory_space<semaphore_mem>>
          %dma_start3A = arith.constant 0 : i32
          %dma_start3A_95 = tpu.memref_slice %arg6[%add3A_94, %dma_start3A] : memref<10000x128xf32, #tpu.memory_space<hbm>> -> memref<80x128xf32, #tpu.memory_space<hbm>>
          %dma_start3A_96 = arith.constant 0 : i32
          %dma_start3A_97 = tpu.memref_slice %arg10[%add3A_92, %dma_start3A_96] : memref<10240x128xf32, #tpu.memory_space<vmem_shared>> -> memref<80x128xf32, #tpu.memory_space<vmem_shared>>
          tpu.enqueue_dma source(%dma_start3A_97 : memref<80x128xf32, #tpu.memory_space<vmem_shared>>) target(%dma_start3A_95 : memref<80x128xf32, #tpu.memory_space<hbm>>) target_semaphore(%run_scoped3A : memref<!tpu.dma_semaphore, #tpu.memory_space<semaphore_mem>>)
          %dma_wait3A = arith.constant 0 : i32
          %dma_wait3A_98 = tpu.memref_slice %arg6[%add3A_94, %dma_wait3A] : memref<10000x128xf32, #tpu.memory_space<hbm>> -> memref<80x128xf32, #tpu.memory_space<hbm>>
          %dma_wait3A_99 = arith.constant 0 : i32
          %dma_wait3A_100 = tpu.memref_slice %arg10[%add3A_92, %dma_wait3A_99] : memref<10240x128xf32, #tpu.memory_space<vmem_shared>> -> memref<80x128xf32, #tpu.memory_space<vmem_shared>>
          tpu.wait_dma2 semaphore(%run_scoped3A : memref<!tpu.dma_semaphore, #tpu.memory_space<semaphore_mem>>) src(%dma_wait3A_100 : memref<80x128xf32, #tpu.memory_space<vmem_shared>>) dst(%dma_wait3A_98 : memref<80x128xf32, #tpu.memory_space<hbm>>)
          tpu.yield
        }) : () -> ()
      } else {
      }
      %add3A_42 = arith.constant 80 : i32
      %add3A_43 = arith.addi %mul3A_7, %add3A_42 : i32
      %lt3A_44 = arith.constant 10000 : i32
      %lt3A_45 = arith.cmpi slt, %add3A_43, %lt3A_44 : i32
      %convert_element_type3A_46 = arith.extui %lt3A_45 : i1 to i32
      %cond3A_47 = arith.constant 0 : i32
      %cond3A_48 = arith.cmpi ne, %convert_element_type3A_46, %cond3A_47 : i32
      scf.if %cond3A_48 {
        %add3A_91 = arith.constant 80 : i32
        %add3A_92 = arith.addi %mul3A_7, %add3A_91 : i32
        %add3A_93 = arith.constant 80 : i32
        %add3A_94 = arith.addi %mul3A_7, %add3A_93 : i32
        "tpu.region"() ({
          %run_scoped3A = tpu.sem_alloc : memref<!tpu.dma_semaphore, #tpu.memory_space<semaphore_mem>>
          %dma_start3A = arith.constant 0 : i32
          %dma_start3A_95 = tpu.memref_slice %arg6[%add3A_94, %dma_start3A] : memref<10000x128xf32, #tpu.memory_space<hbm>> -> memref<80x128xf32, #tpu.memory_space<hbm>>
          %dma_start3A_96 = arith.constant 0 : i32
          %dma_start3A_97 = tpu.memref_slice %arg10[%add3A_92, %dma_start3A_96] : memref<10240x128xf32, #tpu.memory_space<vmem_shared>> -> memref<80x128xf32, #tpu.memory_space<vmem_shared>>
          tpu.enqueue_dma source(%dma_start3A_97 : memref<80x128xf32, #tpu.memory_space<vmem_shared>>) target(%dma_start3A_95 : memref<80x128xf32, #tpu.memory_space<hbm>>) target_semaphore(%run_scoped3A : memref<!tpu.dma_semaphore, #tpu.memory_space<semaphore_mem>>)
          %dma_wait3A = arith.constant 0 : i32
          %dma_wait3A_98 = tpu.memref_slice %arg6[%add3A_94, %dma_wait3A] : memref<10000x128xf32, #tpu.memory_space<hbm>> -> memref<80x128xf32, #tpu.memory_space<hbm>>
          %dma_wait3A_99 = arith.constant 0 : i32
          %dma_wait3A_100 = tpu.memref_slice %arg10[%add3A_92, %dma_wait3A_99] : memref<10240x128xf32, #tpu.memory_space<vmem_shared>> -> memref<80x128xf32, #tpu.memory_space<vmem_shared>>
          tpu.wait_dma2 semaphore(%run_scoped3A : memref<!tpu.dma_semaphore, #tpu.memory_space<semaphore_mem>>) src(%dma_wait3A_100 : memref<80x128xf32, #tpu.memory_space<vmem_shared>>) dst(%dma_wait3A_98 : memref<80x128xf32, #tpu.memory_space<hbm>>)
          tpu.yield
        }) : () -> ()
      } else {
      }
      %add3A_49 = arith.constant 160 : i32
      %add3A_50 = arith.addi %mul3A_7, %add3A_49 : i32
      %lt3A_51 = arith.constant 10000 : i32
      %lt3A_52 = arith.cmpi slt, %add3A_50, %lt3A_51 : i32
      %convert_element_type3A_53 = arith.extui %lt3A_52 : i1 to i32
      %cond3A_54 = arith.constant 0 : i32
      %cond3A_55 = arith.cmpi ne, %convert_element_type3A_53, %cond3A_54 : i32
      scf.if %cond3A_55 {
        %add3A_91 = arith.constant 160 : i32
        %add3A_92 = arith.addi %mul3A_7, %add3A_91 : i32
        %add3A_93 = arith.constant 160 : i32
        %add3A_94 = arith.addi %mul3A_7, %add3A_93 : i32
        "tpu.region"() ({
          %run_scoped3A = tpu.sem_alloc : memref<!tpu.dma_semaphore, #tpu.memory_space<semaphore_mem>>
          %dma_start3A = arith.constant 0 : i32
          %dma_start3A_95 = tpu.memref_slice %arg6[%add3A_94, %dma_start3A] : memref<10000x128xf32, #tpu.memory_space<hbm>> -> memref<80x128xf32, #tpu.memory_space<hbm>>
          %dma_start3A_96 = arith.constant 0 : i32
          %dma_start3A_97 = tpu.memref_slice %arg10[%add3A_92, %dma_start3A_96] : memref<10240x128xf32, #tpu.memory_space<vmem_shared>> -> memref<80x128xf32, #tpu.memory_space<vmem_shared>>
          tpu.enqueue_dma source(%dma_start3A_97 : memref<80x128xf32, #tpu.memory_space<vmem_shared>>) target(%dma_start3A_95 : memref<80x128xf32, #tpu.memory_space<hbm>>) target_semaphore(%run_scoped3A : memref<!tpu.dma_semaphore, #tpu.memory_space<semaphore_mem>>)
          %dma_wait3A = arith.constant 0 : i32
          %dma_wait3A_98 = tpu.memref_slice %arg6[%add3A_94, %dma_wait3A] : memref<10000x128xf32, #tpu.memory_space<hbm>> -> memref<80x128xf32, #tpu.memory_space<hbm>>
          %dma_wait3A_99 = arith.constant 0 : i32
          %dma_wait3A_100 = tpu.memref_slice %arg10[%add3A_92, %dma_wait3A_99] : memref<10240x128xf32, #tpu.memory_space<vmem_shared>> -> memref<80x128xf32, #tpu.memory_space<vmem_shared>>
          tpu.wait_dma2 semaphore(%run_scoped3A : memref<!tpu.dma_semaphore, #tpu.memory_space<semaphore_mem>>) src(%dma_wait3A_100 : memref<80x128xf32, #tpu.memory_space<vmem_shared>>) dst(%dma_wait3A_98 : memref<80x128xf32, #tpu.memory_space<hbm>>)
          tpu.yield
        }) : () -> ()
      } else {
      }
      %add3A_56 = arith.constant 240 : i32
      %add3A_57 = arith.addi %mul3A_7, %add3A_56 : i32
      %lt3A_58 = arith.constant 10000 : i32
      %lt3A_59 = arith.cmpi slt, %add3A_57, %lt3A_58 : i32
      %convert_element_type3A_60 = arith.extui %lt3A_59 : i1 to i32
      %cond3A_61 = arith.constant 0 : i32
      %cond3A_62 = arith.cmpi ne, %convert_element_type3A_60, %cond3A_61 : i32
      scf.if %cond3A_62 {
        %add3A_91 = arith.constant 240 : i32
        %add3A_92 = arith.addi %mul3A_7, %add3A_91 : i32
        %add3A_93 = arith.constant 240 : i32
        %add3A_94 = arith.addi %mul3A_7, %add3A_93 : i32
        "tpu.region"() ({
          %run_scoped3A = tpu.sem_alloc : memref<!tpu.dma_semaphore, #tpu.memory_space<semaphore_mem>>
          %dma_start3A = arith.constant 0 : i32
          %dma_start3A_95 = tpu.memref_slice %arg6[%add3A_94, %dma_start3A] : memref<10000x128xf32, #tpu.memory_space<hbm>> -> memref<80x128xf32, #tpu.memory_space<hbm>>
          %dma_start3A_96 = arith.constant 0 : i32
          %dma_start3A_97 = tpu.memref_slice %arg10[%add3A_92, %dma_start3A_96] : memref<10240x128xf32, #tpu.memory_space<vmem_shared>> -> memref<80x128xf32, #tpu.memory_space<vmem_shared>>
          tpu.enqueue_dma source(%dma_start3A_97 : memref<80x128xf32, #tpu.memory_space<vmem_shared>>) target(%dma_start3A_95 : memref<80x128xf32, #tpu.memory_space<hbm>>) target_semaphore(%run_scoped3A : memref<!tpu.dma_semaphore, #tpu.memory_space<semaphore_mem>>)
          %dma_wait3A = arith.constant 0 : i32
          %dma_wait3A_98 = tpu.memref_slice %arg6[%add3A_94, %dma_wait3A] : memref<10000x128xf32, #tpu.memory_space<hbm>> -> memref<80x128xf32, #tpu.memory_space<hbm>>
          %dma_wait3A_99 = arith.constant 0 : i32
          %dma_wait3A_100 = tpu.memref_slice %arg10[%add3A_92, %dma_wait3A_99] : memref<10240x128xf32, #tpu.memory_space<vmem_shared>> -> memref<80x128xf32, #tpu.memory_space<vmem_shared>>
          tpu.wait_dma2 semaphore(%run_scoped3A : memref<!tpu.dma_semaphore, #tpu.memory_space<semaphore_mem>>) src(%dma_wait3A_100 : memref<80x128xf32, #tpu.memory_space<vmem_shared>>) dst(%dma_wait3A_98 : memref<80x128xf32, #tpu.memory_space<hbm>>)
          tpu.yield
        }) : () -> ()
      } else {
      }
      %add3A_63 = arith.constant 320 : i32
      %add3A_64 = arith.addi %mul3A_7, %add3A_63 : i32
      %lt3A_65 = arith.constant 10000 : i32
      %lt3A_66 = arith.cmpi slt, %add3A_64, %lt3A_65 : i32
      %convert_element_type3A_67 = arith.extui %lt3A_66 : i1 to i32
      %cond3A_68 = arith.constant 0 : i32
      %cond3A_69 = arith.cmpi ne, %convert_element_type3A_67, %cond3A_68 : i32
      scf.if %cond3A_69 {
        %add3A_91 = arith.constant 320 : i32
        %add3A_92 = arith.addi %mul3A_7, %add3A_91 : i32
        %add3A_93 = arith.constant 320 : i32
        %add3A_94 = arith.addi %mul3A_7, %add3A_93 : i32
        "tpu.region"() ({
          %run_scoped3A = tpu.sem_alloc : memref<!tpu.dma_semaphore, #tpu.memory_space<semaphore_mem>>
          %dma_start3A = arith.constant 0 : i32
          %dma_start3A_95 = tpu.memref_slice %arg6[%add3A_94, %dma_start3A] : memref<10000x128xf32, #tpu.memory_space<hbm>> -> memref<80x128xf32, #tpu.memory_space<hbm>>
          %dma_start3A_96 = arith.constant 0 : i32
          %dma_start3A_97 = tpu.memref_slice %arg10[%add3A_92, %dma_start3A_96] : memref<10240x128xf32, #tpu.memory_space<vmem_shared>> -> memref<80x128xf32, #tpu.memory_space<vmem_shared>>
          tpu.enqueue_dma source(%dma_start3A_97 : memref<80x128xf32, #tpu.memory_space<vmem_shared>>) target(%dma_start3A_95 : memref<80x128xf32, #tpu.memory_space<hbm>>) target_semaphore(%run_scoped3A : memref<!tpu.dma_semaphore, #tpu.memory_space<semaphore_mem>>)
          %dma_wait3A = arith.constant 0 : i32
          %dma_wait3A_98 = tpu.memref_slice %arg6[%add3A_94, %dma_wait3A] : memref<10000x128xf32, #tpu.memory_space<hbm>> -> memref<80x128xf32, #tpu.memory_space<hbm>>
          %dma_wait3A_99 = arith.constant 0 : i32
          %dma_wait3A_100 = tpu.memref_slice %arg10[%add3A_92, %dma_wait3A_99] : memref<10240x128xf32, #tpu.memory_space<vmem_shared>> -> memref<80x128xf32, #tpu.memory_space<vmem_shared>>
          tpu.wait_dma2 semaphore(%run_scoped3A : memref<!tpu.dma_semaphore, #tpu.memory_space<semaphore_mem>>) src(%dma_wait3A_100 : memref<80x128xf32, #tpu.memory_space<vmem_shared>>) dst(%dma_wait3A_98 : memref<80x128xf32, #tpu.memory_space<hbm>>)
          tpu.yield
        }) : () -> ()
      } else {
      }
      %add3A_70 = arith.constant 400 : i32
      %add3A_71 = arith.addi %mul3A_7, %add3A_70 : i32
      %lt3A_72 = arith.constant 10000 : i32
      %lt3A_73 = arith.cmpi slt, %add3A_71, %lt3A_72 : i32
      %convert_element_type3A_74 = arith.extui %lt3A_73 : i1 to i32
      %cond3A_75 = arith.constant 0 : i32
      %cond3A_76 = arith.cmpi ne, %convert_element_type3A_74, %cond3A_75 : i32
      scf.if %cond3A_76 {
        %add3A_91 = arith.constant 400 : i32
        %add3A_92 = arith.addi %mul3A_7, %add3A_91 : i32
        %add3A_93 = arith.constant 400 : i32
        %add3A_94 = arith.addi %mul3A_7, %add3A_93 : i32
        "tpu.region"() ({
          %run_scoped3A = tpu.sem_alloc : memref<!tpu.dma_semaphore, #tpu.memory_space<semaphore_mem>>
          %dma_start3A = arith.constant 0 : i32
          %dma_start3A_95 = tpu.memref_slice %arg6[%add3A_94, %dma_start3A] : memref<10000x128xf32, #tpu.memory_space<hbm>> -> memref<80x128xf32, #tpu.memory_space<hbm>>
          %dma_start3A_96 = arith.constant 0 : i32
          %dma_start3A_97 = tpu.memref_slice %arg10[%add3A_92, %dma_start3A_96] : memref<10240x128xf32, #tpu.memory_space<vmem_shared>> -> memref<80x128xf32, #tpu.memory_space<vmem_shared>>
          tpu.enqueue_dma source(%dma_start3A_97 : memref<80x128xf32, #tpu.memory_space<vmem_shared>>) target(%dma_start3A_95 : memref<80x128xf32, #tpu.memory_space<hbm>>) target_semaphore(%run_scoped3A : memref<!tpu.dma_semaphore, #tpu.memory_space<semaphore_mem>>)
          %dma_wait3A = arith.constant 0 : i32
          %dma_wait3A_98 = tpu.memref_slice %arg6[%add3A_94, %dma_wait3A] : memref<10000x128xf32, #tpu.memory_space<hbm>> -> memref<80x128xf32, #tpu.memory_space<hbm>>
          %dma_wait3A_99 = arith.constant 0 : i32
          %dma_wait3A_100 = tpu.memref_slice %arg10[%add3A_92, %dma_wait3A_99] : memref<10240x128xf32, #tpu.memory_space<vmem_shared>> -> memref<80x128xf32, #tpu.memory_space<vmem_shared>>
          tpu.wait_dma2 semaphore(%run_scoped3A : memref<!tpu.dma_semaphore, #tpu.memory_space<semaphore_mem>>) src(%dma_wait3A_100 : memref<80x128xf32, #tpu.memory_space<vmem_shared>>) dst(%dma_wait3A_98 : memref<80x128xf32, #tpu.memory_space<hbm>>)
          tpu.yield
        }) : () -> ()
      } else {
      }
      %add3A_77 = arith.constant 480 : i32
      %add3A_78 = arith.addi %mul3A_7, %add3A_77 : i32
      %lt3A_79 = arith.constant 10000 : i32
      %lt3A_80 = arith.cmpi slt, %add3A_78, %lt3A_79 : i32
      %convert_element_type3A_81 = arith.extui %lt3A_80 : i1 to i32
      %cond3A_82 = arith.constant 0 : i32
      %cond3A_83 = arith.cmpi ne, %convert_element_type3A_81, %cond3A_82 : i32
      scf.if %cond3A_83 {
        %add3A_91 = arith.constant 480 : i32
        %add3A_92 = arith.addi %mul3A_7, %add3A_91 : i32
        %add3A_93 = arith.constant 480 : i32
        %add3A_94 = arith.addi %mul3A_7, %add3A_93 : i32
        "tpu.region"() ({
          %run_scoped3A = tpu.sem_alloc : memref<!tpu.dma_semaphore, #tpu.memory_space<semaphore_mem>>
          %dma_start3A = arith.constant 0 : i32
          %dma_start3A_95 = tpu.memref_slice %arg6[%add3A_94, %dma_start3A] : memref<10000x128xf32, #tpu.memory_space<hbm>> -> memref<80x128xf32, #tpu.memory_space<hbm>>
          %dma_start3A_96 = arith.constant 0 : i32
          %dma_start3A_97 = tpu.memref_slice %arg10[%add3A_92, %dma_start3A_96] : memref<10240x128xf32, #tpu.memory_space<vmem_shared>> -> memref<80x128xf32, #tpu.memory_space<vmem_shared>>
          tpu.enqueue_dma source(%dma_start3A_97 : memref<80x128xf32, #tpu.memory_space<vmem_shared>>) target(%dma_start3A_95 : memref<80x128xf32, #tpu.memory_space<hbm>>) target_semaphore(%run_scoped3A : memref<!tpu.dma_semaphore, #tpu.memory_space<semaphore_mem>>)
          %dma_wait3A = arith.constant 0 : i32
          %dma_wait3A_98 = tpu.memref_slice %arg6[%add3A_94, %dma_wait3A] : memref<10000x128xf32, #tpu.memory_space<hbm>> -> memref<80x128xf32, #tpu.memory_space<hbm>>
          %dma_wait3A_99 = arith.constant 0 : i32
          %dma_wait3A_100 = tpu.memref_slice %arg10[%add3A_92, %dma_wait3A_99] : memref<10240x128xf32, #tpu.memory_space<vmem_shared>> -> memref<80x128xf32, #tpu.memory_space<vmem_shared>>
          tpu.wait_dma2 semaphore(%run_scoped3A : memref<!tpu.dma_semaphore, #tpu.memory_space<semaphore_mem>>) src(%dma_wait3A_100 : memref<80x128xf32, #tpu.memory_space<vmem_shared>>) dst(%dma_wait3A_98 : memref<80x128xf32, #tpu.memory_space<hbm>>)
          tpu.yield
        }) : () -> ()
      } else {
      }
      %add3A_84 = arith.constant 560 : i32
      %add3A_85 = arith.addi %mul3A_7, %add3A_84 : i32
      %lt3A_86 = arith.constant 10000 : i32
      %lt3A_87 = arith.cmpi slt, %add3A_85, %lt3A_86 : i32
      %convert_element_type3A_88 = arith.extui %lt3A_87 : i1 to i32
      %cond3A_89 = arith.constant 0 : i32
      %cond3A_90 = arith.cmpi ne, %convert_element_type3A_88, %cond3A_89 : i32
      scf.if %cond3A_90 {
        %add3A_91 = arith.constant 560 : i32
        %add3A_92 = arith.addi %mul3A_7, %add3A_91 : i32
        %add3A_93 = arith.constant 560 : i32
        %add3A_94 = arith.addi %mul3A_7, %add3A_93 : i32
        "tpu.region"() ({
          %run_scoped3A = tpu.sem_alloc : memref<!tpu.dma_semaphore, #tpu.memory_space<semaphore_mem>>
          %dma_start3A = arith.constant 0 : i32
          %dma_start3A_95 = tpu.memref_slice %arg6[%add3A_94, %dma_start3A] : memref<10000x128xf32, #tpu.memory_space<hbm>> -> memref<80x128xf32, #tpu.memory_space<hbm>>
          %dma_start3A_96 = arith.constant 0 : i32
          %dma_start3A_97 = tpu.memref_slice %arg10[%add3A_92, %dma_start3A_96] : memref<10240x128xf32, #tpu.memory_space<vmem_shared>> -> memref<80x128xf32, #tpu.memory_space<vmem_shared>>
          tpu.enqueue_dma source(%dma_start3A_97 : memref<80x128xf32, #tpu.memory_space<vmem_shared>>) target(%dma_start3A_95 : memref<80x128xf32, #tpu.memory_space<hbm>>) target_semaphore(%run_scoped3A : memref<!tpu.dma_semaphore, #tpu.memory_space<semaphore_mem>>)
          %dma_wait3A = arith.constant 0 : i32
          %dma_wait3A_98 = tpu.memref_slice %arg6[%add3A_94, %dma_wait3A] : memref<10000x128xf32, #tpu.memory_space<hbm>> -> memref<80x128xf32, #tpu.memory_space<hbm>>
          %dma_wait3A_99 = arith.constant 0 : i32
          %dma_wait3A_100 = tpu.memref_slice %arg10[%add3A_92, %dma_wait3A_99] : memref<10240x128xf32, #tpu.memory_space<vmem_shared>> -> memref<80x128xf32, #tpu.memory_space<vmem_shared>>
          tpu.wait_dma2 semaphore(%run_scoped3A : memref<!tpu.dma_semaphore, #tpu.memory_space<semaphore_mem>>) src(%dma_wait3A_100 : memref<80x128xf32, #tpu.memory_space<vmem_shared>>) dst(%dma_wait3A_98 : memref<80x128xf32, #tpu.memory_space<hbm>>)
          tpu.yield
        }) : () -> ()
      } else {
      }
    } else {
    }
    return
  }
}

#map = affine_map<(d0, d1) -> (0, 0)>
module attributes {stable_mosaic.version = 14 : i64} {
  func.func @_sc_agg_body(%arg0: i32, %arg1: i32, %arg2: memref<10000x144xf32, #tpu.memory_space<hbm>>, %arg3: memref<2560x128xi32, #tpu.memory_space<hbm>>, %arg4: memref<2560x128xi32, #tpu.memory_space<hbm>>, %arg5: memref<10000x144xf32, #tpu.memory_space<hbm>>, %arg6: memref<10000x144xf32, #tpu.memory_space<hbm>>, %arg7: memref<80x128xi32, #tpu.memory_space<vmem>>, %arg8: memref<80x128xi32, #tpu.memory_space<vmem>>, %arg9: memref<128x144xf32, #tpu.memory_space<vmem>>, %arg10: memref<10240x144xf32, #tpu.memory_space<vmem_shared>>) attributes {dimension_semantics = [#tpu.dimension_semantics<core_parallel>, #tpu.dimension_semantics<subcore_parallel>], iteration_bounds = array<i64: 2, 16>, scalar_prefetch = 0 : i64, scratch_operands = 4 : i64, tpu.core_type = #tpu.core_type<sc_vector_subcore>, window_params = [{transform_indices = #map}, {transform_indices = #map}, {transform_indices = #map}, {transform_indices = #map}, {transform_indices = #map}]} {
    %mul3A = arith.constant 16 : i32
    %mul3A_0 = arith.muli %arg0, %mul3A : i32
    %add3A = arith.addi %mul3A_0, %arg1 : i32
    %scan3A = arith.constant 0 : i32
    %scan3A_1 = arith.constant 0 : i32
    %scan3A_2 = arith.constant 128 : i32
    %scan3A_3 = arith.addi %scan3A_1, %scan3A_2 : i32
    %scan3A_4 = arith.constant 1 : i32
    scf.for %scan3A_36 = %scan3A_1 to %scan3A_3 step %scan3A_4  : i32 {
      %broadcast_in_dim3A = arith.constant 0.000000e+00 : f32
      %broadcast_in_dim3A_37 = vector.broadcast %broadcast_in_dim3A : f32 to vector<16xf32>
      %swap3A = arith.index_cast %scan3A_36 : i32 to index
      %swap3A_38 = arith.constant 0 : index
      %swap3A_39 = tpu.vector_load %arg9[%swap3A, %swap3A_38] {strides = array<i32>} : memref<128x144xf32, #tpu.memory_space<vmem>>, vector<1x16xf32>,
      %swap3A_40 = vector.shape_cast %swap3A_39 : vector<1x16xf32> to vector<16xf32>
      %swap3A_41 = vector.shape_cast %broadcast_in_dim3A_37 : vector<16xf32> to vector<1x16xf32>
      tpu.vector_store %arg9[%swap3A, %swap3A_38], %swap3A_41 {strides = array<i32>} : memref<128x144xf32, #tpu.memory_space<vmem>>, vector<1x16xf32>,
      %broadcast_in_dim3A_42 = arith.constant 0.000000e+00 : f32
      %broadcast_in_dim3A_43 = vector.broadcast %broadcast_in_dim3A_42 : f32 to vector<16xf32>
      %swap3A_44 = arith.index_cast %scan3A_36 : i32 to index
      %swap3A_45 = arith.constant 16 : index
      %swap3A_46 = tpu.vector_load %arg9[%swap3A_44, %swap3A_45] {strides = array<i32>} : memref<128x144xf32, #tpu.memory_space<vmem>>, vector<1x16xf32>,
      %swap3A_47 = vector.shape_cast %swap3A_46 : vector<1x16xf32> to vector<16xf32>
      %swap3A_48 = vector.shape_cast %broadcast_in_dim3A_43 : vector<16xf32> to vector<1x16xf32>
      tpu.vector_store %arg9[%swap3A_44, %swap3A_45], %swap3A_48 {strides = array<i32>} : memref<128x144xf32, #tpu.memory_space<vmem>>, vector<1x16xf32>,
      %broadcast_in_dim3A_49 = arith.constant 0.000000e+00 : f32
      %broadcast_in_dim3A_50 = vector.broadcast %broadcast_in_dim3A_49 : f32 to vector<16xf32>
      %swap3A_51 = arith.index_cast %scan3A_36 : i32 to index
      %swap3A_52 = arith.constant 32 : index
      %swap3A_53 = tpu.vector_load %arg9[%swap3A_51, %swap3A_52] {strides = array<i32>} : memref<128x144xf32, #tpu.memory_space<vmem>>, vector<1x16xf32>,
      %swap3A_54 = vector.shape_cast %swap3A_53 : vector<1x16xf32> to vector<16xf32>
      %swap3A_55 = vector.shape_cast %broadcast_in_dim3A_50 : vector<16xf32> to vector<1x16xf32>
      tpu.vector_store %arg9[%swap3A_51, %swap3A_52], %swap3A_55 {strides = array<i32>} : memref<128x144xf32, #tpu.memory_space<vmem>>, vector<1x16xf32>,
      %broadcast_in_dim3A_56 = arith.constant 0.000000e+00 : f32
      %broadcast_in_dim3A_57 = vector.broadcast %broadcast_in_dim3A_56 : f32 to vector<16xf32>
      %swap3A_58 = arith.index_cast %scan3A_36 : i32 to index
      %swap3A_59 = arith.constant 48 : index
      %swap3A_60 = tpu.vector_load %arg9[%swap3A_58, %swap3A_59] {strides = array<i32>} : memref<128x144xf32, #tpu.memory_space<vmem>>, vector<1x16xf32>,
      %swap3A_61 = vector.shape_cast %swap3A_60 : vector<1x16xf32> to vector<16xf32>
      %swap3A_62 = vector.shape_cast %broadcast_in_dim3A_57 : vector<16xf32> to vector<1x16xf32>
      tpu.vector_store %arg9[%swap3A_58, %swap3A_59], %swap3A_62 {strides = array<i32>} : memref<128x144xf32, #tpu.memory_space<vmem>>, vector<1x16xf32>,
      %broadcast_in_dim3A_63 = arith.constant 0.000000e+00 : f32
      %broadcast_in_dim3A_64 = vector.broadcast %broadcast_in_dim3A_63 : f32 to vector<16xf32>
      %swap3A_65 = arith.index_cast %scan3A_36 : i32 to index
      %swap3A_66 = arith.constant 64 : index
      %swap3A_67 = tpu.vector_load %arg9[%swap3A_65, %swap3A_66] {strides = array<i32>} : memref<128x144xf32, #tpu.memory_space<vmem>>, vector<1x16xf32>,
      %swap3A_68 = vector.shape_cast %swap3A_67 : vector<1x16xf32> to vector<16xf32>
      %swap3A_69 = vector.shape_cast %broadcast_in_dim3A_64 : vector<16xf32> to vector<1x16xf32>
      tpu.vector_store %arg9[%swap3A_65, %swap3A_66], %swap3A_69 {strides = array<i32>} : memref<128x144xf32, #tpu.memory_space<vmem>>, vector<1x16xf32>,
      %broadcast_in_dim3A_70 = arith.constant 0.000000e+00 : f32
      %broadcast_in_dim3A_71 = vector.broadcast %broadcast_in_dim3A_70 : f32 to vector<16xf32>
      %swap3A_72 = arith.index_cast %scan3A_36 : i32 to index
      %swap3A_73 = arith.constant 80 : index
      %swap3A_74 = tpu.vector_load %arg9[%swap3A_72, %swap3A_73] {strides = array<i32>} : memref<128x144xf32, #tpu.memory_space<vmem>>, vector<1x16xf32>,
      %swap3A_75 = vector.shape_cast %swap3A_74 : vector<1x16xf32> to vector<16xf32>
      %swap3A_76 = vector.shape_cast %broadcast_in_dim3A_71 : vector<16xf32> to vector<1x16xf32>
      tpu.vector_store %arg9[%swap3A_72, %swap3A_73], %swap3A_76 {strides = array<i32>} : memref<128x144xf32, #tpu.memory_space<vmem>>, vector<1x16xf32>,
      %broadcast_in_dim3A_77 = arith.constant 0.000000e+00 : f32
      %broadcast_in_dim3A_78 = vector.broadcast %broadcast_in_dim3A_77 : f32 to vector<16xf32>
      %swap3A_79 = arith.index_cast %scan3A_36 : i32 to index
      %swap3A_80 = arith.constant 96 : index
      %swap3A_81 = tpu.vector_load %arg9[%swap3A_79, %swap3A_80] {strides = array<i32>} : memref<128x144xf32, #tpu.memory_space<vmem>>, vector<1x16xf32>,
      %swap3A_82 = vector.shape_cast %swap3A_81 : vector<1x16xf32> to vector<16xf32>
      %swap3A_83 = vector.shape_cast %broadcast_in_dim3A_78 : vector<16xf32> to vector<1x16xf32>
      tpu.vector_store %arg9[%swap3A_79, %swap3A_80], %swap3A_83 {strides = array<i32>} : memref<128x144xf32, #tpu.memory_space<vmem>>, vector<1x16xf32>,
      %broadcast_in_dim3A_84 = arith.constant 0.000000e+00 : f32
      %broadcast_in_dim3A_85 = vector.broadcast %broadcast_in_dim3A_84 : f32 to vector<16xf32>
      %swap3A_86 = arith.index_cast %scan3A_36 : i32 to index
      %swap3A_87 = arith.constant 112 : index
      %swap3A_88 = tpu.vector_load %arg9[%swap3A_86, %swap3A_87] {strides = array<i32>} : memref<128x144xf32, #tpu.memory_space<vmem>>, vector<1x16xf32>,
      %swap3A_89 = vector.shape_cast %swap3A_88 : vector<1x16xf32> to vector<16xf32>
      %swap3A_90 = vector.shape_cast %broadcast_in_dim3A_85 : vector<16xf32> to vector<1x16xf32>
      tpu.vector_store %arg9[%swap3A_86, %swap3A_87], %swap3A_90 {strides = array<i32>} : memref<128x144xf32, #tpu.memory_space<vmem>>, vector<1x16xf32>,
      %broadcast_in_dim3A_91 = arith.constant 0.000000e+00 : f32
      %broadcast_in_dim3A_92 = vector.broadcast %broadcast_in_dim3A_91 : f32 to vector<16xf32>
      %swap3A_93 = arith.index_cast %scan3A_36 : i32 to index
      %swap3A_94 = arith.constant 128 : index
      %swap3A_95 = tpu.vector_load %arg9[%swap3A_93, %swap3A_94] {strides = array<i32>} : memref<128x144xf32, #tpu.memory_space<vmem>>, vector<1x16xf32>,
      %swap3A_96 = vector.shape_cast %swap3A_95 : vector<1x16xf32> to vector<16xf32>
      %swap3A_97 = vector.shape_cast %broadcast_in_dim3A_92 : vector<16xf32> to vector<1x16xf32>
      tpu.vector_store %arg9[%swap3A_93, %swap3A_94], %swap3A_97 {strides = array<i32>} : memref<128x144xf32, #tpu.memory_space<vmem>>, vector<1x16xf32>,
    }
    %scan3A_5 = arith.constant 128 : i32
    %mul3A_6 = arith.constant 640 : i32
    %mul3A_7 = arith.muli %arg1, %mul3A_6 : i32
    %add3A_8 = arith.constant 0 : i32
    %add3A_9 = arith.addi %mul3A_7, %add3A_8 : i32
    "tpu.region"() ({
      %run_scoped3A = tpu.sem_alloc : memref<!tpu.dma_semaphore, #tpu.memory_space<semaphore_mem>>
      %dma_start3A = arith.constant 0 : i32
      %dma_start3A_36 = tpu.memref_slice %arg10[%add3A_9, %dma_start3A] : memref<10240x144xf32, #tpu.memory_space<vmem_shared>> -> memref<128x144xf32, #tpu.memory_space<vmem_shared>>
      %dma_start3A_37 = arith.constant 0 : i32
      %dma_start3A_38 = tpu.memref_slice %arg10[%add3A_9, %dma_start3A_37] : memref<10240x144xf32, #tpu.memory_space<vmem_shared>> -> memref<128x144xf32, #tpu.memory_space<vmem_shared>>
      tpu.enqueue_dma source(%arg9 : memref<128x144xf32, #tpu.memory_space<vmem>>) target(%dma_start3A_38 : memref<128x144xf32, #tpu.memory_space<vmem_shared>>) target_semaphore(%run_scoped3A : memref<!tpu.dma_semaphore, #tpu.memory_space<semaphore_mem>>)
      %dma_wait3A = arith.constant 0 : i32
      %dma_wait3A_39 = tpu.memref_slice %arg10[%add3A_9, %dma_wait3A] : memref<10240x144xf32, #tpu.memory_space<vmem_shared>> -> memref<128x144xf32, #tpu.memory_space<vmem_shared>>
      %dma_wait3A_40 = arith.constant 0 : i32
      %dma_wait3A_41 = tpu.memref_slice %arg10[%add3A_9, %dma_wait3A_40] : memref<10240x144xf32, #tpu.memory_space<vmem_shared>> -> memref<128x144xf32, #tpu.memory_space<vmem_shared>>
      tpu.wait_dma2 semaphore(%run_scoped3A : memref<!tpu.dma_semaphore, #tpu.memory_space<semaphore_mem>>) src(%arg9 : memref<128x144xf32, #tpu.memory_space<vmem>>) dst(%dma_wait3A_41 : memref<128x144xf32, #tpu.memory_space<vmem_shared>>)
      tpu.yield
    }) : () -> ()
    %add3A_10 = arith.constant 128 : i32
    %add3A_11 = arith.addi %mul3A_7, %add3A_10 : i32
    "tpu.region"() ({
      %run_scoped3A = tpu.sem_alloc : memref<!tpu.dma_semaphore, #tpu.memory_space<semaphore_mem>>
      %dma_start3A = arith.constant 0 : i32
      %dma_start3A_36 = tpu.memref_slice %arg10[%add3A_11, %dma_start3A] : memref<10240x144xf32, #tpu.memory_space<vmem_shared>> -> memref<128x144xf32, #tpu.memory_space<vmem_shared>>
      %dma_start3A_37 = arith.constant 0 : i32
      %dma_start3A_38 = tpu.memref_slice %arg10[%add3A_11, %dma_start3A_37] : memref<10240x144xf32, #tpu.memory_space<vmem_shared>> -> memref<128x144xf32, #tpu.memory_space<vmem_shared>>
      tpu.enqueue_dma source(%arg9 : memref<128x144xf32, #tpu.memory_space<vmem>>) target(%dma_start3A_38 : memref<128x144xf32, #tpu.memory_space<vmem_shared>>) target_semaphore(%run_scoped3A : memref<!tpu.dma_semaphore, #tpu.memory_space<semaphore_mem>>)
      %dma_wait3A = arith.constant 0 : i32
      %dma_wait3A_39 = tpu.memref_slice %arg10[%add3A_11, %dma_wait3A] : memref<10240x144xf32, #tpu.memory_space<vmem_shared>> -> memref<128x144xf32, #tpu.memory_space<vmem_shared>>
      %dma_wait3A_40 = arith.constant 0 : i32
      %dma_wait3A_41 = tpu.memref_slice %arg10[%add3A_11, %dma_wait3A_40] : memref<10240x144xf32, #tpu.memory_space<vmem_shared>> -> memref<128x144xf32, #tpu.memory_space<vmem_shared>>
      tpu.wait_dma2 semaphore(%run_scoped3A : memref<!tpu.dma_semaphore, #tpu.memory_space<semaphore_mem>>) src(%arg9 : memref<128x144xf32, #tpu.memory_space<vmem>>) dst(%dma_wait3A_41 : memref<128x144xf32, #tpu.memory_space<vmem_shared>>)
      tpu.yield
    }) : () -> ()
    %add3A_12 = arith.constant 256 : i32
    %add3A_13 = arith.addi %mul3A_7, %add3A_12 : i32
    "tpu.region"() ({
      %run_scoped3A = tpu.sem_alloc : memref<!tpu.dma_semaphore, #tpu.memory_space<semaphore_mem>>
      %dma_start3A = arith.constant 0 : i32
      %dma_start3A_36 = tpu.memref_slice %arg10[%add3A_13, %dma_start3A] : memref<10240x144xf32, #tpu.memory_space<vmem_shared>> -> memref<128x144xf32, #tpu.memory_space<vmem_shared>>
      %dma_start3A_37 = arith.constant 0 : i32
      %dma_start3A_38 = tpu.memref_slice %arg10[%add3A_13, %dma_start3A_37] : memref<10240x144xf32, #tpu.memory_space<vmem_shared>> -> memref<128x144xf32, #tpu.memory_space<vmem_shared>>
      tpu.enqueue_dma source(%arg9 : memref<128x144xf32, #tpu.memory_space<vmem>>) target(%dma_start3A_38 : memref<128x144xf32, #tpu.memory_space<vmem_shared>>) target_semaphore(%run_scoped3A : memref<!tpu.dma_semaphore, #tpu.memory_space<semaphore_mem>>)
      %dma_wait3A = arith.constant 0 : i32
      %dma_wait3A_39 = tpu.memref_slice %arg10[%add3A_13, %dma_wait3A] : memref<10240x144xf32, #tpu.memory_space<vmem_shared>> -> memref<128x144xf32, #tpu.memory_space<vmem_shared>>
      %dma_wait3A_40 = arith.constant 0 : i32
      %dma_wait3A_41 = tpu.memref_slice %arg10[%add3A_13, %dma_wait3A_40] : memref<10240x144xf32, #tpu.memory_space<vmem_shared>> -> memref<128x144xf32, #tpu.memory_space<vmem_shared>>
      tpu.wait_dma2 semaphore(%run_scoped3A : memref<!tpu.dma_semaphore, #tpu.memory_space<semaphore_mem>>) src(%arg9 : memref<128x144xf32, #tpu.memory_space<vmem>>) dst(%dma_wait3A_41 : memref<128x144xf32, #tpu.memory_space<vmem_shared>>)
      tpu.yield
    }) : () -> ()
    %add3A_14 = arith.constant 384 : i32
    %add3A_15 = arith.addi %mul3A_7, %add3A_14 : i32
    "tpu.region"() ({
      %run_scoped3A = tpu.sem_alloc : memref<!tpu.dma_semaphore, #tpu.memory_space<semaphore_mem>>
      %dma_start3A = arith.constant 0 : i32
      %dma_start3A_36 = tpu.memref_slice %arg10[%add3A_15, %dma_start3A] : memref<10240x144xf32, #tpu.memory_space<vmem_shared>> -> memref<128x144xf32, #tpu.memory_space<vmem_shared>>
      %dma_start3A_37 = arith.constant 0 : i32
      %dma_start3A_38 = tpu.memref_slice %arg10[%add3A_15, %dma_start3A_37] : memref<10240x144xf32, #tpu.memory_space<vmem_shared>> -> memref<128x144xf32, #tpu.memory_space<vmem_shared>>
      tpu.enqueue_dma source(%arg9 : memref<128x144xf32, #tpu.memory_space<vmem>>) target(%dma_start3A_38 : memref<128x144xf32, #tpu.memory_space<vmem_shared>>) target_semaphore(%run_scoped3A : memref<!tpu.dma_semaphore, #tpu.memory_space<semaphore_mem>>)
      %dma_wait3A = arith.constant 0 : i32
      %dma_wait3A_39 = tpu.memref_slice %arg10[%add3A_15, %dma_wait3A] : memref<10240x144xf32, #tpu.memory_space<vmem_shared>> -> memref<128x144xf32, #tpu.memory_space<vmem_shared>>
      %dma_wait3A_40 = arith.constant 0 : i32
      %dma_wait3A_41 = tpu.memref_slice %arg10[%add3A_15, %dma_wait3A_40] : memref<10240x144xf32, #tpu.memory_space<vmem_shared>> -> memref<128x144xf32, #tpu.memory_space<vmem_shared>>
      tpu.wait_dma2 semaphore(%run_scoped3A : memref<!tpu.dma_semaphore, #tpu.memory_space<semaphore_mem>>) src(%arg9 : memref<128x144xf32, #tpu.memory_space<vmem>>) dst(%dma_wait3A_41 : memref<128x144xf32, #tpu.memory_space<vmem_shared>>)
      tpu.yield
    }) : () -> ()
    %add3A_16 = arith.constant 512 : i32
    %add3A_17 = arith.addi %mul3A_7, %add3A_16 : i32
    "tpu.region"() ({
      %run_scoped3A = tpu.sem_alloc : memref<!tpu.dma_semaphore, #tpu.memory_space<semaphore_mem>>
      %dma_start3A = arith.constant 0 : i32
      %dma_start3A_36 = tpu.memref_slice %arg10[%add3A_17, %dma_start3A] : memref<10240x144xf32, #tpu.memory_space<vmem_shared>> -> memref<128x144xf32, #tpu.memory_space<vmem_shared>>
      %dma_start3A_37 = arith.constant 0 : i32
      %dma_start3A_38 = tpu.memref_slice %arg10[%add3A_17, %dma_start3A_37] : memref<10240x144xf32, #tpu.memory_space<vmem_shared>> -> memref<128x144xf32, #tpu.memory_space<vmem_shared>>
      tpu.enqueue_dma source(%arg9 : memref<128x144xf32, #tpu.memory_space<vmem>>) target(%dma_start3A_38 : memref<128x144xf32, #tpu.memory_space<vmem_shared>>) target_semaphore(%run_scoped3A : memref<!tpu.dma_semaphore, #tpu.memory_space<semaphore_mem>>)
      %dma_wait3A = arith.constant 0 : i32
      %dma_wait3A_39 = tpu.memref_slice %arg10[%add3A_17, %dma_wait3A] : memref<10240x144xf32, #tpu.memory_space<vmem_shared>> -> memref<128x144xf32, #tpu.memory_space<vmem_shared>>
      %dma_wait3A_40 = arith.constant 0 : i32
      %dma_wait3A_41 = tpu.memref_slice %arg10[%add3A_17, %dma_wait3A_40] : memref<10240x144xf32, #tpu.memory_space<vmem_shared>> -> memref<128x144xf32, #tpu.memory_space<vmem_shared>>
      tpu.wait_dma2 semaphore(%run_scoped3A : memref<!tpu.dma_semaphore, #tpu.memory_space<semaphore_mem>>) src(%arg9 : memref<128x144xf32, #tpu.memory_space<vmem>>) dst(%dma_wait3A_41 : memref<128x144xf32, #tpu.memory_space<vmem_shared>>)
      tpu.yield
    }) : () -> ()
    %barrier3A = arith.constant 0 : index
    tpu.barrier barrier_id(%barrier3A)
    %mul3A_18 = arith.constant 80 : i32
    %mul3A_19 = arith.muli %add3A, %mul3A_18 : i32
    "tpu.region"() ({
      %run_scoped3A = tpu.sem_alloc : memref<!tpu.dma_semaphore, #tpu.memory_space<semaphore_mem>>
      %dma_start3A = arith.constant 0 : i32
      %dma_start3A_36 = tpu.memref_slice %arg3[%mul3A_19, %dma_start3A] : memref<2560x128xi32, #tpu.memory_space<hbm>> -> memref<80x128xi32, #tpu.memory_space<hbm>>
      %dma_start3A_37 = arith.constant 0 : i32
      %dma_start3A_38 = tpu.memref_slice %arg3[%mul3A_19, %dma_start3A_37] : memref<2560x128xi32, #tpu.memory_space<hbm>> -> memref<80x128xi32, #tpu.memory_space<hbm>>
      tpu.enqueue_dma source(%dma_start3A_38 : memref<80x128xi32, #tpu.memory_space<hbm>>) target(%arg7 : memref<80x128xi32, #tpu.memory_space<vmem>>) target_semaphore(%run_scoped3A : memref<!tpu.dma_semaphore, #tpu.memory_space<semaphore_mem>>)
      %dma_wait3A = arith.constant 0 : i32
      %dma_wait3A_39 = tpu.memref_slice %arg3[%mul3A_19, %dma_wait3A] : memref<2560x128xi32, #tpu.memory_space<hbm>> -> memref<80x128xi32, #tpu.memory_space<hbm>>
      %dma_wait3A_40 = arith.constant 0 : i32
      %dma_wait3A_41 = tpu.memref_slice %arg3[%mul3A_19, %dma_wait3A_40] : memref<2560x128xi32, #tpu.memory_space<hbm>> -> memref<80x128xi32, #tpu.memory_space<hbm>>
      tpu.wait_dma2 semaphore(%run_scoped3A : memref<!tpu.dma_semaphore, #tpu.memory_space<semaphore_mem>>) src(%dma_wait3A_41 : memref<80x128xi32, #tpu.memory_space<hbm>>) dst(%arg7 : memref<80x128xi32, #tpu.memory_space<vmem>>)
      tpu.yield
    }) : () -> ()
    %mul3A_20 = arith.constant 80 : i32
    %mul3A_21 = arith.muli %add3A, %mul3A_20 : i32
    "tpu.region"() ({
      %run_scoped3A = tpu.sem_alloc : memref<!tpu.dma_semaphore, #tpu.memory_space<semaphore_mem>>
      %dma_start3A = arith.constant 0 : i32
      %dma_start3A_36 = tpu.memref_slice %arg4[%mul3A_21, %dma_start3A] : memref<2560x128xi32, #tpu.memory_space<hbm>> -> memref<80x128xi32, #tpu.memory_space<hbm>>
      %dma_start3A_37 = arith.constant 0 : i32
      %dma_start3A_38 = tpu.memref_slice %arg4[%mul3A_21, %dma_start3A_37] : memref<2560x128xi32, #tpu.memory_space<hbm>> -> memref<80x128xi32, #tpu.memory_space<hbm>>
      tpu.enqueue_dma source(%dma_start3A_38 : memref<80x128xi32, #tpu.memory_space<hbm>>) target(%arg8 : memref<80x128xi32, #tpu.memory_space<vmem>>) target_semaphore(%run_scoped3A : memref<!tpu.dma_semaphore, #tpu.memory_space<semaphore_mem>>)
      %dma_wait3A = arith.constant 0 : i32
      %dma_wait3A_39 = tpu.memref_slice %arg4[%mul3A_21, %dma_wait3A] : memref<2560x128xi32, #tpu.memory_space<hbm>> -> memref<80x128xi32, #tpu.memory_space<hbm>>
      %dma_wait3A_40 = arith.constant 0 : i32
      %dma_wait3A_41 = tpu.memref_slice %arg4[%mul3A_21, %dma_wait3A_40] : memref<2560x128xi32, #tpu.memory_space<hbm>> -> memref<80x128xi32, #tpu.memory_space<hbm>>
      tpu.wait_dma2 semaphore(%run_scoped3A : memref<!tpu.dma_semaphore, #tpu.memory_space<semaphore_mem>>) src(%dma_wait3A_41 : memref<80x128xi32, #tpu.memory_space<hbm>>) dst(%arg8 : memref<80x128xi32, #tpu.memory_space<vmem>>)
      tpu.yield
    }) : () -> ()
    %scan3A_22 = arith.constant 0 : i32
    %scan3A_23 = arith.constant 0 : i32
    %scan3A_24 = arith.constant 80 : i32
    %scan3A_25 = arith.addi %scan3A_23, %scan3A_24 : i32
    %scan3A_26 = arith.constant 1 : i32
    scf.for %scan3A_36 = %scan3A_23 to %scan3A_25 step %scan3A_26  : i32 {
      "tpu.region"() ({
        %run_scoped3A = tpu.sem_alloc : memref<!tpu.dma_semaphore, #tpu.memory_space<semaphore_mem>>
        %dma_start3A = arith.constant 0 : i32
        %dma_start3A_37 = tpu.memref_slice %arg7[%scan3A_36, %dma_start3A] : memref<80x128xi32, #tpu.memory_space<vmem>> -> memref<1x128xi32, #tpu.memory_space<vmem>>
        %dma_start3A_38 = tpu.memref_squeeze %dma_start3A_37 : memref<1x128xi32, #tpu.memory_space<vmem>> -> memref<128xi32, #tpu.memory_space<vmem>>
        %dma_start3A_39 = arith.constant 0 : i32
        %dma_start3A_40 = arith.constant 0 : i32
        %dma_start3A_41 = tpu.memref_slice %arg2[%dma_start3A_39, %dma_start3A_40] : memref<10000x144xf32, #tpu.memory_space<hbm>> -> memref<10000x144xf32, #tpu.memory_space<hbm>>
        tpu.enqueue_indirect_dma source(%dma_start3A_41 : memref<10000x144xf32, #tpu.memory_space<hbm>>) target(%arg9 : memref<128x144xf32, #tpu.memory_space<vmem>>) offsets(%dma_start3A_38 : memref<128xi32, #tpu.memory_space<vmem>>) semaphore(%run_scoped3A : memref<!tpu.dma_semaphore, #tpu.memory_space<semaphore_mem>>)
        %dma_wait3A = arith.constant 0 : i32
        %dma_wait3A_42 = tpu.memref_slice %arg7[%scan3A_36, %dma_wait3A] : memref<80x128xi32, #tpu.memory_space<vmem>> -> memref<1x128xi32, #tpu.memory_space<vmem>>
        %dma_wait3A_43 = tpu.memref_squeeze %dma_wait3A_42 : memref<1x128xi32, #tpu.memory_space<vmem>> -> memref<128xi32, #tpu.memory_space<vmem>>
        %dma_wait3A_44 = arith.constant 0 : i32
        %dma_wait3A_45 = arith.constant 0 : i32
        %dma_wait3A_46 = tpu.memref_slice %arg2[%dma_wait3A_44, %dma_wait3A_45] : memref<10000x144xf32, #tpu.memory_space<hbm>> -> memref<10000x144xf32, #tpu.memory_space<hbm>>
        tpu.wait_indirect_dma semaphore(%run_scoped3A : memref<!tpu.dma_semaphore, #tpu.memory_space<semaphore_mem>>) src(%dma_wait3A_46 : memref<10000x144xf32, #tpu.memory_space<hbm>>) dst(%arg9 : memref<128x144xf32, #tpu.memory_space<vmem>>)
        tpu.yield
      }) : () -> ()
      "tpu.region"() ({
        %run_scoped3A = tpu.sem_alloc : memref<!tpu.dma_semaphore, #tpu.memory_space<semaphore_mem>>
        %dma_start3A = arith.constant 0 : i32
        %dma_start3A_37 = tpu.memref_slice %arg8[%scan3A_36, %dma_start3A] : memref<80x128xi32, #tpu.memory_space<vmem>> -> memref<1x128xi32, #tpu.memory_space<vmem>>
        %dma_start3A_38 = tpu.memref_squeeze %dma_start3A_37 : memref<1x128xi32, #tpu.memory_space<vmem>> -> memref<128xi32, #tpu.memory_space<vmem>>
        %dma_start3A_39 = arith.constant 0 : i32
        %dma_start3A_40 = arith.constant 0 : i32
        %dma_start3A_41 = tpu.memref_slice %arg10[%dma_start3A_39, %dma_start3A_40] : memref<10240x144xf32, #tpu.memory_space<vmem_shared>> -> memref<10240x144xf32, #tpu.memory_space<vmem_shared>>
        tpu.enqueue_indirect_dma source(%arg9 : memref<128x144xf32, #tpu.memory_space<vmem>>) target(%dma_start3A_41 : memref<10240x144xf32, #tpu.memory_space<vmem_shared>>) offsets(%dma_start3A_38 : memref<128xi32, #tpu.memory_space<vmem>>) semaphore(%run_scoped3A : memref<!tpu.dma_semaphore, #tpu.memory_space<semaphore_mem>>) {add = true}
        %dma_wait3A = arith.constant 0 : i32
        %dma_wait3A_42 = tpu.memref_slice %arg8[%scan3A_36, %dma_wait3A] : memref<80x128xi32, #tpu.memory_space<vmem>> -> memref<1x128xi32, #tpu.memory_space<vmem>>
        %dma_wait3A_43 = tpu.memref_squeeze %dma_wait3A_42 : memref<1x128xi32, #tpu.memory_space<vmem>> -> memref<128xi32, #tpu.memory_space<vmem>>
        %dma_wait3A_44 = arith.constant 0 : i32
        %dma_wait3A_45 = arith.constant 0 : i32
        %dma_wait3A_46 = tpu.memref_slice %arg10[%dma_wait3A_44, %dma_wait3A_45] : memref<10240x144xf32, #tpu.memory_space<vmem_shared>> -> memref<10240x144xf32, #tpu.memory_space<vmem_shared>>
        tpu.wait_indirect_dma semaphore(%run_scoped3A : memref<!tpu.dma_semaphore, #tpu.memory_space<semaphore_mem>>) src(%arg9 : memref<128x144xf32, #tpu.memory_space<vmem>>) dst(%dma_wait3A_46 : memref<10240x144xf32, #tpu.memory_space<vmem_shared>>)
        tpu.yield
      }) : () -> ()
    }
    %scan3A_27 = arith.constant 80 : i32
    %barrier3A_28 = arith.constant 0 : index
    tpu.barrier barrier_id(%barrier3A_28)
    %eq3A = arith.constant 0 : i32
    %eq3A_29 = arith.cmpi eq, %arg0, %eq3A : i32
    %convert_element_type3A = arith.extui %eq3A_29 : i1 to i32
    %cond3A = arith.constant 0 : i32
    %cond3A_30 = arith.cmpi ne, %convert_element_type3A, %cond3A : i32
    scf.if %cond3A_30 {
      %add3A_36 = arith.constant 0 : i32
      %add3A_37 = arith.addi %mul3A_7, %add3A_36 : i32
      %lt3A = arith.constant 10000 : i32
      %lt3A_38 = arith.cmpi slt, %add3A_37, %lt3A : i32
      %convert_element_type3A_39 = arith.extui %lt3A_38 : i1 to i32
      %cond3A_40 = arith.constant 0 : i32
      %cond3A_41 = arith.cmpi ne, %convert_element_type3A_39, %cond3A_40 : i32
      scf.if %cond3A_41 {
        %add3A_91 = arith.constant 0 : i32
        %add3A_92 = arith.addi %mul3A_7, %add3A_91 : i32
        %add3A_93 = arith.constant 0 : i32
        %add3A_94 = arith.addi %mul3A_7, %add3A_93 : i32
        "tpu.region"() ({
          %run_scoped3A = tpu.sem_alloc : memref<!tpu.dma_semaphore, #tpu.memory_space<semaphore_mem>>
          %dma_start3A = arith.constant 0 : i32
          %dma_start3A_95 = tpu.memref_slice %arg5[%add3A_94, %dma_start3A] : memref<10000x144xf32, #tpu.memory_space<hbm>> -> memref<80x144xf32, #tpu.memory_space<hbm>>
          %dma_start3A_96 = arith.constant 0 : i32
          %dma_start3A_97 = tpu.memref_slice %arg10[%add3A_92, %dma_start3A_96] : memref<10240x144xf32, #tpu.memory_space<vmem_shared>> -> memref<80x144xf32, #tpu.memory_space<vmem_shared>>
          tpu.enqueue_dma source(%dma_start3A_97 : memref<80x144xf32, #tpu.memory_space<vmem_shared>>) target(%dma_start3A_95 : memref<80x144xf32, #tpu.memory_space<hbm>>) target_semaphore(%run_scoped3A : memref<!tpu.dma_semaphore, #tpu.memory_space<semaphore_mem>>)
          %dma_wait3A = arith.constant 0 : i32
          %dma_wait3A_98 = tpu.memref_slice %arg5[%add3A_94, %dma_wait3A] : memref<10000x144xf32, #tpu.memory_space<hbm>> -> memref<80x144xf32, #tpu.memory_space<hbm>>
          %dma_wait3A_99 = arith.constant 0 : i32
          %dma_wait3A_100 = tpu.memref_slice %arg10[%add3A_92, %dma_wait3A_99] : memref<10240x144xf32, #tpu.memory_space<vmem_shared>> -> memref<80x144xf32, #tpu.memory_space<vmem_shared>>
          tpu.wait_dma2 semaphore(%run_scoped3A : memref<!tpu.dma_semaphore, #tpu.memory_space<semaphore_mem>>) src(%dma_wait3A_100 : memref<80x144xf32, #tpu.memory_space<vmem_shared>>) dst(%dma_wait3A_98 : memref<80x144xf32, #tpu.memory_space<hbm>>)
          tpu.yield
        }) : () -> ()
      } else {
      }
      %add3A_42 = arith.constant 80 : i32
      %add3A_43 = arith.addi %mul3A_7, %add3A_42 : i32
      %lt3A_44 = arith.constant 10000 : i32
      %lt3A_45 = arith.cmpi slt, %add3A_43, %lt3A_44 : i32
      %convert_element_type3A_46 = arith.extui %lt3A_45 : i1 to i32
      %cond3A_47 = arith.constant 0 : i32
      %cond3A_48 = arith.cmpi ne, %convert_element_type3A_46, %cond3A_47 : i32
      scf.if %cond3A_48 {
        %add3A_91 = arith.constant 80 : i32
        %add3A_92 = arith.addi %mul3A_7, %add3A_91 : i32
        %add3A_93 = arith.constant 80 : i32
        %add3A_94 = arith.addi %mul3A_7, %add3A_93 : i32
        "tpu.region"() ({
          %run_scoped3A = tpu.sem_alloc : memref<!tpu.dma_semaphore, #tpu.memory_space<semaphore_mem>>
          %dma_start3A = arith.constant 0 : i32
          %dma_start3A_95 = tpu.memref_slice %arg5[%add3A_94, %dma_start3A] : memref<10000x144xf32, #tpu.memory_space<hbm>> -> memref<80x144xf32, #tpu.memory_space<hbm>>
          %dma_start3A_96 = arith.constant 0 : i32
          %dma_start3A_97 = tpu.memref_slice %arg10[%add3A_92, %dma_start3A_96] : memref<10240x144xf32, #tpu.memory_space<vmem_shared>> -> memref<80x144xf32, #tpu.memory_space<vmem_shared>>
          tpu.enqueue_dma source(%dma_start3A_97 : memref<80x144xf32, #tpu.memory_space<vmem_shared>>) target(%dma_start3A_95 : memref<80x144xf32, #tpu.memory_space<hbm>>) target_semaphore(%run_scoped3A : memref<!tpu.dma_semaphore, #tpu.memory_space<semaphore_mem>>)
          %dma_wait3A = arith.constant 0 : i32
          %dma_wait3A_98 = tpu.memref_slice %arg5[%add3A_94, %dma_wait3A] : memref<10000x144xf32, #tpu.memory_space<hbm>> -> memref<80x144xf32, #tpu.memory_space<hbm>>
          %dma_wait3A_99 = arith.constant 0 : i32
          %dma_wait3A_100 = tpu.memref_slice %arg10[%add3A_92, %dma_wait3A_99] : memref<10240x144xf32, #tpu.memory_space<vmem_shared>> -> memref<80x144xf32, #tpu.memory_space<vmem_shared>>
          tpu.wait_dma2 semaphore(%run_scoped3A : memref<!tpu.dma_semaphore, #tpu.memory_space<semaphore_mem>>) src(%dma_wait3A_100 : memref<80x144xf32, #tpu.memory_space<vmem_shared>>) dst(%dma_wait3A_98 : memref<80x144xf32, #tpu.memory_space<hbm>>)
          tpu.yield
        }) : () -> ()
      } else {
      }
      %add3A_49 = arith.constant 160 : i32
      %add3A_50 = arith.addi %mul3A_7, %add3A_49 : i32
      %lt3A_51 = arith.constant 10000 : i32
      %lt3A_52 = arith.cmpi slt, %add3A_50, %lt3A_51 : i32
      %convert_element_type3A_53 = arith.extui %lt3A_52 : i1 to i32
      %cond3A_54 = arith.constant 0 : i32
      %cond3A_55 = arith.cmpi ne, %convert_element_type3A_53, %cond3A_54 : i32
      scf.if %cond3A_55 {
        %add3A_91 = arith.constant 160 : i32
        %add3A_92 = arith.addi %mul3A_7, %add3A_91 : i32
        %add3A_93 = arith.constant 160 : i32
        %add3A_94 = arith.addi %mul3A_7, %add3A_93 : i32
        "tpu.region"() ({
          %run_scoped3A = tpu.sem_alloc : memref<!tpu.dma_semaphore, #tpu.memory_space<semaphore_mem>>
          %dma_start3A = arith.constant 0 : i32
          %dma_start3A_95 = tpu.memref_slice %arg5[%add3A_94, %dma_start3A] : memref<10000x144xf32, #tpu.memory_space<hbm>> -> memref<80x144xf32, #tpu.memory_space<hbm>>
          %dma_start3A_96 = arith.constant 0 : i32
          %dma_start3A_97 = tpu.memref_slice %arg10[%add3A_92, %dma_start3A_96] : memref<10240x144xf32, #tpu.memory_space<vmem_shared>> -> memref<80x144xf32, #tpu.memory_space<vmem_shared>>
          tpu.enqueue_dma source(%dma_start3A_97 : memref<80x144xf32, #tpu.memory_space<vmem_shared>>) target(%dma_start3A_95 : memref<80x144xf32, #tpu.memory_space<hbm>>) target_semaphore(%run_scoped3A : memref<!tpu.dma_semaphore, #tpu.memory_space<semaphore_mem>>)
          %dma_wait3A = arith.constant 0 : i32
          %dma_wait3A_98 = tpu.memref_slice %arg5[%add3A_94, %dma_wait3A] : memref<10000x144xf32, #tpu.memory_space<hbm>> -> memref<80x144xf32, #tpu.memory_space<hbm>>
          %dma_wait3A_99 = arith.constant 0 : i32
          %dma_wait3A_100 = tpu.memref_slice %arg10[%add3A_92, %dma_wait3A_99] : memref<10240x144xf32, #tpu.memory_space<vmem_shared>> -> memref<80x144xf32, #tpu.memory_space<vmem_shared>>
          tpu.wait_dma2 semaphore(%run_scoped3A : memref<!tpu.dma_semaphore, #tpu.memory_space<semaphore_mem>>) src(%dma_wait3A_100 : memref<80x144xf32, #tpu.memory_space<vmem_shared>>) dst(%dma_wait3A_98 : memref<80x144xf32, #tpu.memory_space<hbm>>)
          tpu.yield
        }) : () -> ()
      } else {
      }
      %add3A_56 = arith.constant 240 : i32
      %add3A_57 = arith.addi %mul3A_7, %add3A_56 : i32
      %lt3A_58 = arith.constant 10000 : i32
      %lt3A_59 = arith.cmpi slt, %add3A_57, %lt3A_58 : i32
      %convert_element_type3A_60 = arith.extui %lt3A_59 : i1 to i32
      %cond3A_61 = arith.constant 0 : i32
      %cond3A_62 = arith.cmpi ne, %convert_element_type3A_60, %cond3A_61 : i32
      scf.if %cond3A_62 {
        %add3A_91 = arith.constant 240 : i32
        %add3A_92 = arith.addi %mul3A_7, %add3A_91 : i32
        %add3A_93 = arith.constant 240 : i32
        %add3A_94 = arith.addi %mul3A_7, %add3A_93 : i32
        "tpu.region"() ({
          %run_scoped3A = tpu.sem_alloc : memref<!tpu.dma_semaphore, #tpu.memory_space<semaphore_mem>>
          %dma_start3A = arith.constant 0 : i32
          %dma_start3A_95 = tpu.memref_slice %arg5[%add3A_94, %dma_start3A] : memref<10000x144xf32, #tpu.memory_space<hbm>> -> memref<80x144xf32, #tpu.memory_space<hbm>>
          %dma_start3A_96 = arith.constant 0 : i32
          %dma_start3A_97 = tpu.memref_slice %arg10[%add3A_92, %dma_start3A_96] : memref<10240x144xf32, #tpu.memory_space<vmem_shared>> -> memref<80x144xf32, #tpu.memory_space<vmem_shared>>
          tpu.enqueue_dma source(%dma_start3A_97 : memref<80x144xf32, #tpu.memory_space<vmem_shared>>) target(%dma_start3A_95 : memref<80x144xf32, #tpu.memory_space<hbm>>) target_semaphore(%run_scoped3A : memref<!tpu.dma_semaphore, #tpu.memory_space<semaphore_mem>>)
          %dma_wait3A = arith.constant 0 : i32
          %dma_wait3A_98 = tpu.memref_slice %arg5[%add3A_94, %dma_wait3A] : memref<10000x144xf32, #tpu.memory_space<hbm>> -> memref<80x144xf32, #tpu.memory_space<hbm>>
          %dma_wait3A_99 = arith.constant 0 : i32
          %dma_wait3A_100 = tpu.memref_slice %arg10[%add3A_92, %dma_wait3A_99] : memref<10240x144xf32, #tpu.memory_space<vmem_shared>> -> memref<80x144xf32, #tpu.memory_space<vmem_shared>>
          tpu.wait_dma2 semaphore(%run_scoped3A : memref<!tpu.dma_semaphore, #tpu.memory_space<semaphore_mem>>) src(%dma_wait3A_100 : memref<80x144xf32, #tpu.memory_space<vmem_shared>>) dst(%dma_wait3A_98 : memref<80x144xf32, #tpu.memory_space<hbm>>)
          tpu.yield
        }) : () -> ()
      } else {
      }
      %add3A_63 = arith.constant 320 : i32
      %add3A_64 = arith.addi %mul3A_7, %add3A_63 : i32
      %lt3A_65 = arith.constant 10000 : i32
      %lt3A_66 = arith.cmpi slt, %add3A_64, %lt3A_65 : i32
      %convert_element_type3A_67 = arith.extui %lt3A_66 : i1 to i32
      %cond3A_68 = arith.constant 0 : i32
      %cond3A_69 = arith.cmpi ne, %convert_element_type3A_67, %cond3A_68 : i32
      scf.if %cond3A_69 {
        %add3A_91 = arith.constant 320 : i32
        %add3A_92 = arith.addi %mul3A_7, %add3A_91 : i32
        %add3A_93 = arith.constant 320 : i32
        %add3A_94 = arith.addi %mul3A_7, %add3A_93 : i32
        "tpu.region"() ({
          %run_scoped3A = tpu.sem_alloc : memref<!tpu.dma_semaphore, #tpu.memory_space<semaphore_mem>>
          %dma_start3A = arith.constant 0 : i32
          %dma_start3A_95 = tpu.memref_slice %arg5[%add3A_94, %dma_start3A] : memref<10000x144xf32, #tpu.memory_space<hbm>> -> memref<80x144xf32, #tpu.memory_space<hbm>>
          %dma_start3A_96 = arith.constant 0 : i32
          %dma_start3A_97 = tpu.memref_slice %arg10[%add3A_92, %dma_start3A_96] : memref<10240x144xf32, #tpu.memory_space<vmem_shared>> -> memref<80x144xf32, #tpu.memory_space<vmem_shared>>
          tpu.enqueue_dma source(%dma_start3A_97 : memref<80x144xf32, #tpu.memory_space<vmem_shared>>) target(%dma_start3A_95 : memref<80x144xf32, #tpu.memory_space<hbm>>) target_semaphore(%run_scoped3A : memref<!tpu.dma_semaphore, #tpu.memory_space<semaphore_mem>>)
          %dma_wait3A = arith.constant 0 : i32
          %dma_wait3A_98 = tpu.memref_slice %arg5[%add3A_94, %dma_wait3A] : memref<10000x144xf32, #tpu.memory_space<hbm>> -> memref<80x144xf32, #tpu.memory_space<hbm>>
          %dma_wait3A_99 = arith.constant 0 : i32
          %dma_wait3A_100 = tpu.memref_slice %arg10[%add3A_92, %dma_wait3A_99] : memref<10240x144xf32, #tpu.memory_space<vmem_shared>> -> memref<80x144xf32, #tpu.memory_space<vmem_shared>>
          tpu.wait_dma2 semaphore(%run_scoped3A : memref<!tpu.dma_semaphore, #tpu.memory_space<semaphore_mem>>) src(%dma_wait3A_100 : memref<80x144xf32, #tpu.memory_space<vmem_shared>>) dst(%dma_wait3A_98 : memref<80x144xf32, #tpu.memory_space<hbm>>)
          tpu.yield
        }) : () -> ()
      } else {
      }
      %add3A_70 = arith.constant 400 : i32
      %add3A_71 = arith.addi %mul3A_7, %add3A_70 : i32
      %lt3A_72 = arith.constant 10000 : i32
      %lt3A_73 = arith.cmpi slt, %add3A_71, %lt3A_72 : i32
      %convert_element_type3A_74 = arith.extui %lt3A_73 : i1 to i32
      %cond3A_75 = arith.constant 0 : i32
      %cond3A_76 = arith.cmpi ne, %convert_element_type3A_74, %cond3A_75 : i32
      scf.if %cond3A_76 {
        %add3A_91 = arith.constant 400 : i32
        %add3A_92 = arith.addi %mul3A_7, %add3A_91 : i32
        %add3A_93 = arith.constant 400 : i32
        %add3A_94 = arith.addi %mul3A_7, %add3A_93 : i32
        "tpu.region"() ({
          %run_scoped3A = tpu.sem_alloc : memref<!tpu.dma_semaphore, #tpu.memory_space<semaphore_mem>>
          %dma_start3A = arith.constant 0 : i32
          %dma_start3A_95 = tpu.memref_slice %arg5[%add3A_94, %dma_start3A] : memref<10000x144xf32, #tpu.memory_space<hbm>> -> memref<80x144xf32, #tpu.memory_space<hbm>>
          %dma_start3A_96 = arith.constant 0 : i32
          %dma_start3A_97 = tpu.memref_slice %arg10[%add3A_92, %dma_start3A_96] : memref<10240x144xf32, #tpu.memory_space<vmem_shared>> -> memref<80x144xf32, #tpu.memory_space<vmem_shared>>
          tpu.enqueue_dma source(%dma_start3A_97 : memref<80x144xf32, #tpu.memory_space<vmem_shared>>) target(%dma_start3A_95 : memref<80x144xf32, #tpu.memory_space<hbm>>) target_semaphore(%run_scoped3A : memref<!tpu.dma_semaphore, #tpu.memory_space<semaphore_mem>>)
          %dma_wait3A = arith.constant 0 : i32
          %dma_wait3A_98 = tpu.memref_slice %arg5[%add3A_94, %dma_wait3A] : memref<10000x144xf32, #tpu.memory_space<hbm>> -> memref<80x144xf32, #tpu.memory_space<hbm>>
          %dma_wait3A_99 = arith.constant 0 : i32
          %dma_wait3A_100 = tpu.memref_slice %arg10[%add3A_92, %dma_wait3A_99] : memref<10240x144xf32, #tpu.memory_space<vmem_shared>> -> memref<80x144xf32, #tpu.memory_space<vmem_shared>>
          tpu.wait_dma2 semaphore(%run_scoped3A : memref<!tpu.dma_semaphore, #tpu.memory_space<semaphore_mem>>) src(%dma_wait3A_100 : memref<80x144xf32, #tpu.memory_space<vmem_shared>>) dst(%dma_wait3A_98 : memref<80x144xf32, #tpu.memory_space<hbm>>)
          tpu.yield
        }) : () -> ()
      } else {
      }
      %add3A_77 = arith.constant 480 : i32
      %add3A_78 = arith.addi %mul3A_7, %add3A_77 : i32
      %lt3A_79 = arith.constant 10000 : i32
      %lt3A_80 = arith.cmpi slt, %add3A_78, %lt3A_79 : i32
      %convert_element_type3A_81 = arith.extui %lt3A_80 : i1 to i32
      %cond3A_82 = arith.constant 0 : i32
      %cond3A_83 = arith.cmpi ne, %convert_element_type3A_81, %cond3A_82 : i32
      scf.if %cond3A_83 {
        %add3A_91 = arith.constant 480 : i32
        %add3A_92 = arith.addi %mul3A_7, %add3A_91 : i32
        %add3A_93 = arith.constant 480 : i32
        %add3A_94 = arith.addi %mul3A_7, %add3A_93 : i32
        "tpu.region"() ({
          %run_scoped3A = tpu.sem_alloc : memref<!tpu.dma_semaphore, #tpu.memory_space<semaphore_mem>>
          %dma_start3A = arith.constant 0 : i32
          %dma_start3A_95 = tpu.memref_slice %arg5[%add3A_94, %dma_start3A] : memref<10000x144xf32, #tpu.memory_space<hbm>> -> memref<80x144xf32, #tpu.memory_space<hbm>>
          %dma_start3A_96 = arith.constant 0 : i32
          %dma_start3A_97 = tpu.memref_slice %arg10[%add3A_92, %dma_start3A_96] : memref<10240x144xf32, #tpu.memory_space<vmem_shared>> -> memref<80x144xf32, #tpu.memory_space<vmem_shared>>
          tpu.enqueue_dma source(%dma_start3A_97 : memref<80x144xf32, #tpu.memory_space<vmem_shared>>) target(%dma_start3A_95 : memref<80x144xf32, #tpu.memory_space<hbm>>) target_semaphore(%run_scoped3A : memref<!tpu.dma_semaphore, #tpu.memory_space<semaphore_mem>>)
          %dma_wait3A = arith.constant 0 : i32
          %dma_wait3A_98 = tpu.memref_slice %arg5[%add3A_94, %dma_wait3A] : memref<10000x144xf32, #tpu.memory_space<hbm>> -> memref<80x144xf32, #tpu.memory_space<hbm>>
          %dma_wait3A_99 = arith.constant 0 : i32
          %dma_wait3A_100 = tpu.memref_slice %arg10[%add3A_92, %dma_wait3A_99] : memref<10240x144xf32, #tpu.memory_space<vmem_shared>> -> memref<80x144xf32, #tpu.memory_space<vmem_shared>>
          tpu.wait_dma2 semaphore(%run_scoped3A : memref<!tpu.dma_semaphore, #tpu.memory_space<semaphore_mem>>) src(%dma_wait3A_100 : memref<80x144xf32, #tpu.memory_space<vmem_shared>>) dst(%dma_wait3A_98 : memref<80x144xf32, #tpu.memory_space<hbm>>)
          tpu.yield
        }) : () -> ()
      } else {
      }
      %add3A_84 = arith.constant 560 : i32
      %add3A_85 = arith.addi %mul3A_7, %add3A_84 : i32
      %lt3A_86 = arith.constant 10000 : i32
      %lt3A_87 = arith.cmpi slt, %add3A_85, %lt3A_86 : i32
      %convert_element_type3A_88 = arith.extui %lt3A_87 : i1 to i32
      %cond3A_89 = arith.constant 0 : i32
      %cond3A_90 = arith.cmpi ne, %convert_element_type3A_88, %cond3A_89 : i32
      scf.if %cond3A_90 {
        %add3A_91 = arith.constant 560 : i32
        %add3A_92 = arith.addi %mul3A_7, %add3A_91 : i32
        %add3A_93 = arith.constant 560 : i32
        %add3A_94 = arith.addi %mul3A_7, %add3A_93 : i32
        "tpu.region"() ({
          %run_scoped3A = tpu.sem_alloc : memref<!tpu.dma_semaphore, #tpu.memory_space<semaphore_mem>>
          %dma_start3A = arith.constant 0 : i32
          %dma_start3A_95 = tpu.memref_slice %arg5[%add3A_94, %dma_start3A] : memref<10000x144xf32, #tpu.memory_space<hbm>> -> memref<80x144xf32, #tpu.memory_space<hbm>>
          %dma_start3A_96 = arith.constant 0 : i32
          %dma_start3A_97 = tpu.memref_slice %arg10[%add3A_92, %dma_start3A_96] : memref<10240x144xf32, #tpu.memory_space<vmem_shared>> -> memref<80x144xf32, #tpu.memory_space<vmem_shared>>
          tpu.enqueue_dma source(%dma_start3A_97 : memref<80x144xf32, #tpu.memory_space<vmem_shared>>) target(%dma_start3A_95 : memref<80x144xf32, #tpu.memory_space<hbm>>) target_semaphore(%run_scoped3A : memref<!tpu.dma_semaphore, #tpu.memory_space<semaphore_mem>>)
          %dma_wait3A = arith.constant 0 : i32
          %dma_wait3A_98 = tpu.memref_slice %arg5[%add3A_94, %dma_wait3A] : memref<10000x144xf32, #tpu.memory_space<hbm>> -> memref<80x144xf32, #tpu.memory_space<hbm>>
          %dma_wait3A_99 = arith.constant 0 : i32
          %dma_wait3A_100 = tpu.memref_slice %arg10[%add3A_92, %dma_wait3A_99] : memref<10240x144xf32, #tpu.memory_space<vmem_shared>> -> memref<80x144xf32, #tpu.memory_space<vmem_shared>>
          tpu.wait_dma2 semaphore(%run_scoped3A : memref<!tpu.dma_semaphore, #tpu.memory_space<semaphore_mem>>) src(%dma_wait3A_100 : memref<80x144xf32, #tpu.memory_space<vmem_shared>>) dst(%dma_wait3A_98 : memref<80x144xf32, #tpu.memory_space<hbm>>)
          tpu.yield
        }) : () -> ()
      } else {
      }
    } else {
    }
    %eq3A_31 = arith.constant 1 : i32
    %eq3A_32 = arith.cmpi eq, %arg0, %eq3A_31 : i32
    %convert_element_type3A_33 = arith.extui %eq3A_32 : i1 to i32
    %cond3A_34 = arith.constant 0 : i32
    %cond3A_35 = arith.cmpi ne, %convert_element_type3A_33, %cond3A_34 : i32
    scf.if %cond3A_35 {
      %add3A_36 = arith.constant 0 : i32
      %add3A_37 = arith.addi %mul3A_7, %add3A_36 : i32
      %lt3A = arith.constant 10000 : i32
      %lt3A_38 = arith.cmpi slt, %add3A_37, %lt3A : i32
      %convert_element_type3A_39 = arith.extui %lt3A_38 : i1 to i32
      %cond3A_40 = arith.constant 0 : i32
      %cond3A_41 = arith.cmpi ne, %convert_element_type3A_39, %cond3A_40 : i32
      scf.if %cond3A_41 {
        %add3A_91 = arith.constant 0 : i32
        %add3A_92 = arith.addi %mul3A_7, %add3A_91 : i32
        %add3A_93 = arith.constant 0 : i32
        %add3A_94 = arith.addi %mul3A_7, %add3A_93 : i32
        "tpu.region"() ({
          %run_scoped3A = tpu.sem_alloc : memref<!tpu.dma_semaphore, #tpu.memory_space<semaphore_mem>>
          %dma_start3A = arith.constant 0 : i32
          %dma_start3A_95 = tpu.memref_slice %arg6[%add3A_94, %dma_start3A] : memref<10000x144xf32, #tpu.memory_space<hbm>> -> memref<80x144xf32, #tpu.memory_space<hbm>>
          %dma_start3A_96 = arith.constant 0 : i32
          %dma_start3A_97 = tpu.memref_slice %arg10[%add3A_92, %dma_start3A_96] : memref<10240x144xf32, #tpu.memory_space<vmem_shared>> -> memref<80x144xf32, #tpu.memory_space<vmem_shared>>
          tpu.enqueue_dma source(%dma_start3A_97 : memref<80x144xf32, #tpu.memory_space<vmem_shared>>) target(%dma_start3A_95 : memref<80x144xf32, #tpu.memory_space<hbm>>) target_semaphore(%run_scoped3A : memref<!tpu.dma_semaphore, #tpu.memory_space<semaphore_mem>>)
          %dma_wait3A = arith.constant 0 : i32
          %dma_wait3A_98 = tpu.memref_slice %arg6[%add3A_94, %dma_wait3A] : memref<10000x144xf32, #tpu.memory_space<hbm>> -> memref<80x144xf32, #tpu.memory_space<hbm>>
          %dma_wait3A_99 = arith.constant 0 : i32
          %dma_wait3A_100 = tpu.memref_slice %arg10[%add3A_92, %dma_wait3A_99] : memref<10240x144xf32, #tpu.memory_space<vmem_shared>> -> memref<80x144xf32, #tpu.memory_space<vmem_shared>>
          tpu.wait_dma2 semaphore(%run_scoped3A : memref<!tpu.dma_semaphore, #tpu.memory_space<semaphore_mem>>) src(%dma_wait3A_100 : memref<80x144xf32, #tpu.memory_space<vmem_shared>>) dst(%dma_wait3A_98 : memref<80x144xf32, #tpu.memory_space<hbm>>)
          tpu.yield
        }) : () -> ()
      } else {
      }
      %add3A_42 = arith.constant 80 : i32
      %add3A_43 = arith.addi %mul3A_7, %add3A_42 : i32
      %lt3A_44 = arith.constant 10000 : i32
      %lt3A_45 = arith.cmpi slt, %add3A_43, %lt3A_44 : i32
      %convert_element_type3A_46 = arith.extui %lt3A_45 : i1 to i32
      %cond3A_47 = arith.constant 0 : i32
      %cond3A_48 = arith.cmpi ne, %convert_element_type3A_46, %cond3A_47 : i32
      scf.if %cond3A_48 {
        %add3A_91 = arith.constant 80 : i32
        %add3A_92 = arith.addi %mul3A_7, %add3A_91 : i32
        %add3A_93 = arith.constant 80 : i32
        %add3A_94 = arith.addi %mul3A_7, %add3A_93 : i32
        "tpu.region"() ({
          %run_scoped3A = tpu.sem_alloc : memref<!tpu.dma_semaphore, #tpu.memory_space<semaphore_mem>>
          %dma_start3A = arith.constant 0 : i32
          %dma_start3A_95 = tpu.memref_slice %arg6[%add3A_94, %dma_start3A] : memref<10000x144xf32, #tpu.memory_space<hbm>> -> memref<80x144xf32, #tpu.memory_space<hbm>>
          %dma_start3A_96 = arith.constant 0 : i32
          %dma_start3A_97 = tpu.memref_slice %arg10[%add3A_92, %dma_start3A_96] : memref<10240x144xf32, #tpu.memory_space<vmem_shared>> -> memref<80x144xf32, #tpu.memory_space<vmem_shared>>
          tpu.enqueue_dma source(%dma_start3A_97 : memref<80x144xf32, #tpu.memory_space<vmem_shared>>) target(%dma_start3A_95 : memref<80x144xf32, #tpu.memory_space<hbm>>) target_semaphore(%run_scoped3A : memref<!tpu.dma_semaphore, #tpu.memory_space<semaphore_mem>>)
          %dma_wait3A = arith.constant 0 : i32
          %dma_wait3A_98 = tpu.memref_slice %arg6[%add3A_94, %dma_wait3A] : memref<10000x144xf32, #tpu.memory_space<hbm>> -> memref<80x144xf32, #tpu.memory_space<hbm>>
          %dma_wait3A_99 = arith.constant 0 : i32
          %dma_wait3A_100 = tpu.memref_slice %arg10[%add3A_92, %dma_wait3A_99] : memref<10240x144xf32, #tpu.memory_space<vmem_shared>> -> memref<80x144xf32, #tpu.memory_space<vmem_shared>>
          tpu.wait_dma2 semaphore(%run_scoped3A : memref<!tpu.dma_semaphore, #tpu.memory_space<semaphore_mem>>) src(%dma_wait3A_100 : memref<80x144xf32, #tpu.memory_space<vmem_shared>>) dst(%dma_wait3A_98 : memref<80x144xf32, #tpu.memory_space<hbm>>)
          tpu.yield
        }) : () -> ()
      } else {
      }
      %add3A_49 = arith.constant 160 : i32
      %add3A_50 = arith.addi %mul3A_7, %add3A_49 : i32
      %lt3A_51 = arith.constant 10000 : i32
      %lt3A_52 = arith.cmpi slt, %add3A_50, %lt3A_51 : i32
      %convert_element_type3A_53 = arith.extui %lt3A_52 : i1 to i32
      %cond3A_54 = arith.constant 0 : i32
      %cond3A_55 = arith.cmpi ne, %convert_element_type3A_53, %cond3A_54 : i32
      scf.if %cond3A_55 {
        %add3A_91 = arith.constant 160 : i32
        %add3A_92 = arith.addi %mul3A_7, %add3A_91 : i32
        %add3A_93 = arith.constant 160 : i32
        %add3A_94 = arith.addi %mul3A_7, %add3A_93 : i32
        "tpu.region"() ({
          %run_scoped3A = tpu.sem_alloc : memref<!tpu.dma_semaphore, #tpu.memory_space<semaphore_mem>>
          %dma_start3A = arith.constant 0 : i32
          %dma_start3A_95 = tpu.memref_slice %arg6[%add3A_94, %dma_start3A] : memref<10000x144xf32, #tpu.memory_space<hbm>> -> memref<80x144xf32, #tpu.memory_space<hbm>>
          %dma_start3A_96 = arith.constant 0 : i32
          %dma_start3A_97 = tpu.memref_slice %arg10[%add3A_92, %dma_start3A_96] : memref<10240x144xf32, #tpu.memory_space<vmem_shared>> -> memref<80x144xf32, #tpu.memory_space<vmem_shared>>
          tpu.enqueue_dma source(%dma_start3A_97 : memref<80x144xf32, #tpu.memory_space<vmem_shared>>) target(%dma_start3A_95 : memref<80x144xf32, #tpu.memory_space<hbm>>) target_semaphore(%run_scoped3A : memref<!tpu.dma_semaphore, #tpu.memory_space<semaphore_mem>>)
          %dma_wait3A = arith.constant 0 : i32
          %dma_wait3A_98 = tpu.memref_slice %arg6[%add3A_94, %dma_wait3A] : memref<10000x144xf32, #tpu.memory_space<hbm>> -> memref<80x144xf32, #tpu.memory_space<hbm>>
          %dma_wait3A_99 = arith.constant 0 : i32
          %dma_wait3A_100 = tpu.memref_slice %arg10[%add3A_92, %dma_wait3A_99] : memref<10240x144xf32, #tpu.memory_space<vmem_shared>> -> memref<80x144xf32, #tpu.memory_space<vmem_shared>>
          tpu.wait_dma2 semaphore(%run_scoped3A : memref<!tpu.dma_semaphore, #tpu.memory_space<semaphore_mem>>) src(%dma_wait3A_100 : memref<80x144xf32, #tpu.memory_space<vmem_shared>>) dst(%dma_wait3A_98 : memref<80x144xf32, #tpu.memory_space<hbm>>)
          tpu.yield
        }) : () -> ()
      } else {
      }
      %add3A_56 = arith.constant 240 : i32
      %add3A_57 = arith.addi %mul3A_7, %add3A_56 : i32
      %lt3A_58 = arith.constant 10000 : i32
      %lt3A_59 = arith.cmpi slt, %add3A_57, %lt3A_58 : i32
      %convert_element_type3A_60 = arith.extui %lt3A_59 : i1 to i32
      %cond3A_61 = arith.constant 0 : i32
      %cond3A_62 = arith.cmpi ne, %convert_element_type3A_60, %cond3A_61 : i32
      scf.if %cond3A_62 {
        %add3A_91 = arith.constant 240 : i32
        %add3A_92 = arith.addi %mul3A_7, %add3A_91 : i32
        %add3A_93 = arith.constant 240 : i32
        %add3A_94 = arith.addi %mul3A_7, %add3A_93 : i32
        "tpu.region"() ({
          %run_scoped3A = tpu.sem_alloc : memref<!tpu.dma_semaphore, #tpu.memory_space<semaphore_mem>>
          %dma_start3A = arith.constant 0 : i32
          %dma_start3A_95 = tpu.memref_slice %arg6[%add3A_94, %dma_start3A] : memref<10000x144xf32, #tpu.memory_space<hbm>> -> memref<80x144xf32, #tpu.memory_space<hbm>>
          %dma_start3A_96 = arith.constant 0 : i32
          %dma_start3A_97 = tpu.memref_slice %arg10[%add3A_92, %dma_start3A_96] : memref<10240x144xf32, #tpu.memory_space<vmem_shared>> -> memref<80x144xf32, #tpu.memory_space<vmem_shared>>
          tpu.enqueue_dma source(%dma_start3A_97 : memref<80x144xf32, #tpu.memory_space<vmem_shared>>) target(%dma_start3A_95 : memref<80x144xf32, #tpu.memory_space<hbm>>) target_semaphore(%run_scoped3A : memref<!tpu.dma_semaphore, #tpu.memory_space<semaphore_mem>>)
          %dma_wait3A = arith.constant 0 : i32
          %dma_wait3A_98 = tpu.memref_slice %arg6[%add3A_94, %dma_wait3A] : memref<10000x144xf32, #tpu.memory_space<hbm>> -> memref<80x144xf32, #tpu.memory_space<hbm>>
          %dma_wait3A_99 = arith.constant 0 : i32
          %dma_wait3A_100 = tpu.memref_slice %arg10[%add3A_92, %dma_wait3A_99] : memref<10240x144xf32, #tpu.memory_space<vmem_shared>> -> memref<80x144xf32, #tpu.memory_space<vmem_shared>>
          tpu.wait_dma2 semaphore(%run_scoped3A : memref<!tpu.dma_semaphore, #tpu.memory_space<semaphore_mem>>) src(%dma_wait3A_100 : memref<80x144xf32, #tpu.memory_space<vmem_shared>>) dst(%dma_wait3A_98 : memref<80x144xf32, #tpu.memory_space<hbm>>)
          tpu.yield
        }) : () -> ()
      } else {
      }
      %add3A_63 = arith.constant 320 : i32
      %add3A_64 = arith.addi %mul3A_7, %add3A_63 : i32
      %lt3A_65 = arith.constant 10000 : i32
      %lt3A_66 = arith.cmpi slt, %add3A_64, %lt3A_65 : i32
      %convert_element_type3A_67 = arith.extui %lt3A_66 : i1 to i32
      %cond3A_68 = arith.constant 0 : i32
      %cond3A_69 = arith.cmpi ne, %convert_element_type3A_67, %cond3A_68 : i32
      scf.if %cond3A_69 {
        %add3A_91 = arith.constant 320 : i32
        %add3A_92 = arith.addi %mul3A_7, %add3A_91 : i32
        %add3A_93 = arith.constant 320 : i32
        %add3A_94 = arith.addi %mul3A_7, %add3A_93 : i32
        "tpu.region"() ({
          %run_scoped3A = tpu.sem_alloc : memref<!tpu.dma_semaphore, #tpu.memory_space<semaphore_mem>>
          %dma_start3A = arith.constant 0 : i32
          %dma_start3A_95 = tpu.memref_slice %arg6[%add3A_94, %dma_start3A] : memref<10000x144xf32, #tpu.memory_space<hbm>> -> memref<80x144xf32, #tpu.memory_space<hbm>>
          %dma_start3A_96 = arith.constant 0 : i32
          %dma_start3A_97 = tpu.memref_slice %arg10[%add3A_92, %dma_start3A_96] : memref<10240x144xf32, #tpu.memory_space<vmem_shared>> -> memref<80x144xf32, #tpu.memory_space<vmem_shared>>
          tpu.enqueue_dma source(%dma_start3A_97 : memref<80x144xf32, #tpu.memory_space<vmem_shared>>) target(%dma_start3A_95 : memref<80x144xf32, #tpu.memory_space<hbm>>) target_semaphore(%run_scoped3A : memref<!tpu.dma_semaphore, #tpu.memory_space<semaphore_mem>>)
          %dma_wait3A = arith.constant 0 : i32
          %dma_wait3A_98 = tpu.memref_slice %arg6[%add3A_94, %dma_wait3A] : memref<10000x144xf32, #tpu.memory_space<hbm>> -> memref<80x144xf32, #tpu.memory_space<hbm>>
          %dma_wait3A_99 = arith.constant 0 : i32
          %dma_wait3A_100 = tpu.memref_slice %arg10[%add3A_92, %dma_wait3A_99] : memref<10240x144xf32, #tpu.memory_space<vmem_shared>> -> memref<80x144xf32, #tpu.memory_space<vmem_shared>>
          tpu.wait_dma2 semaphore(%run_scoped3A : memref<!tpu.dma_semaphore, #tpu.memory_space<semaphore_mem>>) src(%dma_wait3A_100 : memref<80x144xf32, #tpu.memory_space<vmem_shared>>) dst(%dma_wait3A_98 : memref<80x144xf32, #tpu.memory_space<hbm>>)
          tpu.yield
        }) : () -> ()
      } else {
      }
      %add3A_70 = arith.constant 400 : i32
      %add3A_71 = arith.addi %mul3A_7, %add3A_70 : i32
      %lt3A_72 = arith.constant 10000 : i32
      %lt3A_73 = arith.cmpi slt, %add3A_71, %lt3A_72 : i32
      %convert_element_type3A_74 = arith.extui %lt3A_73 : i1 to i32
      %cond3A_75 = arith.constant 0 : i32
      %cond3A_76 = arith.cmpi ne, %convert_element_type3A_74, %cond3A_75 : i32
      scf.if %cond3A_76 {
        %add3A_91 = arith.constant 400 : i32
        %add3A_92 = arith.addi %mul3A_7, %add3A_91 : i32
        %add3A_93 = arith.constant 400 : i32
        %add3A_94 = arith.addi %mul3A_7, %add3A_93 : i32
        "tpu.region"() ({
          %run_scoped3A = tpu.sem_alloc : memref<!tpu.dma_semaphore, #tpu.memory_space<semaphore_mem>>
          %dma_start3A = arith.constant 0 : i32
          %dma_start3A_95 = tpu.memref_slice %arg6[%add3A_94, %dma_start3A] : memref<10000x144xf32, #tpu.memory_space<hbm>> -> memref<80x144xf32, #tpu.memory_space<hbm>>
          %dma_start3A_96 = arith.constant 0 : i32
          %dma_start3A_97 = tpu.memref_slice %arg10[%add3A_92, %dma_start3A_96] : memref<10240x144xf32, #tpu.memory_space<vmem_shared>> -> memref<80x144xf32, #tpu.memory_space<vmem_shared>>
          tpu.enqueue_dma source(%dma_start3A_97 : memref<80x144xf32, #tpu.memory_space<vmem_shared>>) target(%dma_start3A_95 : memref<80x144xf32, #tpu.memory_space<hbm>>) target_semaphore(%run_scoped3A : memref<!tpu.dma_semaphore, #tpu.memory_space<semaphore_mem>>)
          %dma_wait3A = arith.constant 0 : i32
          %dma_wait3A_98 = tpu.memref_slice %arg6[%add3A_94, %dma_wait3A] : memref<10000x144xf32, #tpu.memory_space<hbm>> -> memref<80x144xf32, #tpu.memory_space<hbm>>
          %dma_wait3A_99 = arith.constant 0 : i32
          %dma_wait3A_100 = tpu.memref_slice %arg10[%add3A_92, %dma_wait3A_99] : memref<10240x144xf32, #tpu.memory_space<vmem_shared>> -> memref<80x144xf32, #tpu.memory_space<vmem_shared>>
          tpu.wait_dma2 semaphore(%run_scoped3A : memref<!tpu.dma_semaphore, #tpu.memory_space<semaphore_mem>>) src(%dma_wait3A_100 : memref<80x144xf32, #tpu.memory_space<vmem_shared>>) dst(%dma_wait3A_98 : memref<80x144xf32, #tpu.memory_space<hbm>>)
          tpu.yield
        }) : () -> ()
      } else {
      }
      %add3A_77 = arith.constant 480 : i32
      %add3A_78 = arith.addi %mul3A_7, %add3A_77 : i32
      %lt3A_79 = arith.constant 10000 : i32
      %lt3A_80 = arith.cmpi slt, %add3A_78, %lt3A_79 : i32
      %convert_element_type3A_81 = arith.extui %lt3A_80 : i1 to i32
      %cond3A_82 = arith.constant 0 : i32
      %cond3A_83 = arith.cmpi ne, %convert_element_type3A_81, %cond3A_82 : i32
      scf.if %cond3A_83 {
        %add3A_91 = arith.constant 480 : i32
        %add3A_92 = arith.addi %mul3A_7, %add3A_91 : i32
        %add3A_93 = arith.constant 480 : i32
        %add3A_94 = arith.addi %mul3A_7, %add3A_93 : i32
        "tpu.region"() ({
          %run_scoped3A = tpu.sem_alloc : memref<!tpu.dma_semaphore, #tpu.memory_space<semaphore_mem>>
          %dma_start3A = arith.constant 0 : i32
          %dma_start3A_95 = tpu.memref_slice %arg6[%add3A_94, %dma_start3A] : memref<10000x144xf32, #tpu.memory_space<hbm>> -> memref<80x144xf32, #tpu.memory_space<hbm>>
          %dma_start3A_96 = arith.constant 0 : i32
          %dma_start3A_97 = tpu.memref_slice %arg10[%add3A_92, %dma_start3A_96] : memref<10240x144xf32, #tpu.memory_space<vmem_shared>> -> memref<80x144xf32, #tpu.memory_space<vmem_shared>>
          tpu.enqueue_dma source(%dma_start3A_97 : memref<80x144xf32, #tpu.memory_space<vmem_shared>>) target(%dma_start3A_95 : memref<80x144xf32, #tpu.memory_space<hbm>>) target_semaphore(%run_scoped3A : memref<!tpu.dma_semaphore, #tpu.memory_space<semaphore_mem>>)
          %dma_wait3A = arith.constant 0 : i32
          %dma_wait3A_98 = tpu.memref_slice %arg6[%add3A_94, %dma_wait3A] : memref<10000x144xf32, #tpu.memory_space<hbm>> -> memref<80x144xf32, #tpu.memory_space<hbm>>
          %dma_wait3A_99 = arith.constant 0 : i32
          %dma_wait3A_100 = tpu.memref_slice %arg10[%add3A_92, %dma_wait3A_99] : memref<10240x144xf32, #tpu.memory_space<vmem_shared>> -> memref<80x144xf32, #tpu.memory_space<vmem_shared>>
          tpu.wait_dma2 semaphore(%run_scoped3A : memref<!tpu.dma_semaphore, #tpu.memory_space<semaphore_mem>>) src(%dma_wait3A_100 : memref<80x144xf32, #tpu.memory_space<vmem_shared>>) dst(%dma_wait3A_98 : memref<80x144xf32, #tpu.memory_space<hbm>>)
          tpu.yield
        }) : () -> ()
      } else {
      }
      %add3A_84 = arith.constant 560 : i32
      %add3A_85 = arith.addi %mul3A_7, %add3A_84 : i32
      %lt3A_86 = arith.constant 10000 : i32
      %lt3A_87 = arith.cmpi slt, %add3A_85, %lt3A_86 : i32
      %convert_element_type3A_88 = arith.extui %lt3A_87 : i1 to i32
      %cond3A_89 = arith.constant 0 : i32
      %cond3A_90 = arith.cmpi ne, %convert_element_type3A_88, %cond3A_89 : i32
      scf.if %cond3A_90 {
        %add3A_91 = arith.constant 560 : i32
        %add3A_92 = arith.addi %mul3A_7, %add3A_91 : i32
        %add3A_93 = arith.constant 560 : i32
        %add3A_94 = arith.addi %mul3A_7, %add3A_93 : i32
        "tpu.region"() ({
          %run_scoped3A = tpu.sem_alloc : memref<!tpu.dma_semaphore, #tpu.memory_space<semaphore_mem>>
          %dma_start3A = arith.constant 0 : i32
          %dma_start3A_95 = tpu.memref_slice %arg6[%add3A_94, %dma_start3A] : memref<10000x144xf32, #tpu.memory_space<hbm>> -> memref<80x144xf32, #tpu.memory_space<hbm>>
          %dma_start3A_96 = arith.constant 0 : i32
          %dma_start3A_97 = tpu.memref_slice %arg10[%add3A_92, %dma_start3A_96] : memref<10240x144xf32, #tpu.memory_space<vmem_shared>> -> memref<80x144xf32, #tpu.memory_space<vmem_shared>>
          tpu.enqueue_dma source(%dma_start3A_97 : memref<80x144xf32, #tpu.memory_space<vmem_shared>>) target(%dma_start3A_95 : memref<80x144xf32, #tpu.memory_space<hbm>>) target_semaphore(%run_scoped3A : memref<!tpu.dma_semaphore, #tpu.memory_space<semaphore_mem>>)
          %dma_wait3A = arith.constant 0 : i32
          %dma_wait3A_98 = tpu.memref_slice %arg6[%add3A_94, %dma_wait3A] : memref<10000x144xf32, #tpu.memory_space<hbm>> -> memref<80x144xf32, #tpu.memory_space<hbm>>
          %dma_wait3A_99 = arith.constant 0 : i32
          %dma_wait3A_100 = tpu.memref_slice %arg10[%add3A_92, %dma_wait3A_99] : memref<10240x144xf32, #tpu.memory_space<vmem_shared>> -> memref<80x144xf32, #tpu.memory_space<vmem_shared>>
          tpu.wait_dma2 semaphore(%run_scoped3A : memref<!tpu.dma_semaphore, #tpu.memory_space<semaphore_mem>>) src(%dma_wait3A_100 : memref<80x144xf32, #tpu.memory_space<vmem_shared>>) dst(%dma_wait3A_98 : memref<80x144xf32, #tpu.memory_space<hbm>>)
          tpu.yield
        }) : () -> ()
      } else {
      }
    } else {
    }
    return
  }
}

module attributes {stable_mosaic.version = 14 : i64} {
  func.func @_tc1_body(%arg0: i32, %arg1: memref<1000x144xf32, #tpu.memory_space<vmem>>, %arg2: memref<1000x144xf32, #tpu.memory_space<vmem>>, %arg3: memref<1000x128xf32, #tpu.memory_space<vmem>>, %arg4: memref<128x128xf32, #tpu.memory_space<vmem>>, %arg5: memref<128x128xf32, #tpu.memory_space<vmem>>, %arg6: memref<1x128xf32, #tpu.memory_space<vmem>>, %arg7: memref<1000x128xf32, #tpu.memory_space<vmem>>, %arg8: memref<1000x1xf32, #tpu.memory_space<vmem>>) attributes {dimension_semantics = [#tpu.dimension_semantics<arbitrary>], iteration_bounds = array<i64: 10>, scalar_prefetch = 0 : i64, scratch_operands = 0 : i64, tpu.core_type = #tpu.core_type<tc>, window_params = [{transform_indices = @transform_0, window_bounds = array<i64: 1000, 144>}, {transform_indices = @transform_1, window_bounds = array<i64: 1000, 144>}, {transform_indices = @transform_2, window_bounds = array<i64: 1000, 128>}, {pipeline_mode = #tpu.pipeline_mode<synchronous>, transform_indices = @transform_3, window_bounds = array<i64: 128, 128>}, {pipeline_mode = #tpu.pipeline_mode<synchronous>, transform_indices = @transform_4, window_bounds = array<i64: 128, 128>}, {pipeline_mode = #tpu.pipeline_mode<synchronous>, transform_indices = @transform_5, window_bounds = array<i64: 1, 128>}, {transform_indices = @transform_6, window_bounds = array<i64: 1000, 128>}, {transform_indices = @transform_7, window_bounds = array<i64: 1000, 1>}]} {
    %get3A = arith.constant 0 : index
    %get3A_0 = arith.constant 0 : index
    %get3A_1 = vector.load %arg1[%get3A, %get3A_0] : memref<1000x144xf32, #tpu.memory_space<vmem>>, vector<1000x144xf32>
    %get3A_2 = arith.constant 0 : index
    %get3A_3 = arith.constant 0 : index
    %get3A_4 = vector.load %arg2[%get3A_2, %get3A_3] : memref<1000x144xf32, #tpu.memory_space<vmem>>, vector<1000x144xf32>
    %add3A = arith.addf %get3A_1, %get3A_4 : vector<1000x144xf32>
    %slice3A = vector.extract_strided_slice %add3A {offsets = [0, 128], sizes = [1000, 1], strides = [1, 1]} : vector<1000x144xf32> to vector<1000x1xf32>
    %max3A = arith.constant 1.000000e+00 : f32
    %max3A_5 = vector.broadcast %max3A : f32 to vector<1000x1xf32>
    %max3A_6 = arith.maximumf %slice3A, %max3A_5 : vector<1000x1xf32>
    %div3A = arith.constant 1.000000e+00 : f32
    %div3A_7 = vector.broadcast %div3A : f32 to vector<1000x1xf32>
    %div3A_8 = arith.divf %div3A_7, %max3A_6 : vector<1000x1xf32>
    %slice3A_9 = vector.extract_strided_slice %add3A {offsets = [0, 0], sizes = [1000, 128], strides = [1, 1]} : vector<1000x144xf32> to vector<1000x128xf32>
    %mul3A = vector.broadcast %div3A_8 : vector<1000x1xf32> to vector<1000x128xf32>
    %mul3A_10 = arith.mulf %slice3A_9, %mul3A : vector<1000x128xf32>
    %get3A_11 = arith.constant 0 : index
    %get3A_12 = arith.constant 0 : index
    %get3A_13 = vector.load %arg4[%get3A_11, %get3A_12] : memref<128x128xf32, #tpu.memory_space<vmem>>, vector<128x128xf32>
    %dot_general3A = arith.constant dense<0.000000e+00> : vector<1000x128xf32>
    %dot_general3A_14 = tpu.matmul %mul3A_10, %get3A_13, %dot_general3A {dimension_numbers = #tpu.dot_dimension_numbers<[1], [0], [0], [1], [0, 0, 1, 1], [], []>, transpose_lhs_hint = false} : vector<1000x128xf32>, vector<128x128xf32>, vector<1000x128xf32> -> vector<1000x128xf32>
    %get3A_15 = arith.constant 0 : index
    %get3A_16 = arith.constant 0 : index
    %get3A_17 = vector.load %arg3[%get3A_15, %get3A_16] : memref<1000x128xf32, #tpu.memory_space<vmem>>, vector<1000x128xf32>
    %get3A_18 = arith.constant 0 : index
    %get3A_19 = arith.constant 0 : index
    %get3A_20 = vector.load %arg5[%get3A_18, %get3A_19] : memref<128x128xf32, #tpu.memory_space<vmem>>, vector<128x128xf32>
    %dot_general3A_21 = arith.constant dense<0.000000e+00> : vector<1000x128xf32>
    %dot_general3A_22 = tpu.matmul %get3A_17, %get3A_20, %dot_general3A_21 {dimension_numbers = #tpu.dot_dimension_numbers<[1], [0], [0], [1], [0, 0, 1, 1], [], []>, transpose_lhs_hint = false} : vector<1000x128xf32>, vector<128x128xf32>, vector<1000x128xf32> -> vector<1000x128xf32>
    %add3A_23 = arith.addf %dot_general3A_14, %dot_general3A_22 : vector<1000x128xf32>
    %get3A_24 = arith.constant 0 : index
    %get3A_25 = arith.constant 0 : index
    %get3A_26 = vector.load %arg6[%get3A_24, %get3A_25] : memref<1x128xf32, #tpu.memory_space<vmem>>, vector<1x128xf32>
    %add3A_27 = vector.broadcast %get3A_26 : vector<1x128xf32> to vector<1000x128xf32>
    %add3A_28 = arith.addf %add3A_23, %add3A_27 : vector<1000x128xf32>
    %max3A_29 = arith.constant 0.000000e+00 : f32
    %max3A_30 = vector.broadcast %max3A_29 : f32 to vector<1000x128xf32>
    %max3A_31 = arith.maximumf %add3A_28, %max3A_30 : vector<1000x128xf32>
    %swap3A = arith.constant 0 : index
    %swap3A_32 = arith.constant 0 : index
    %swap3A_33 = vector.load %arg7[%swap3A, %swap3A_32] : memref<1000x128xf32, #tpu.memory_space<vmem>>, vector<1000x128xf32>
    tpu.vector_store %arg7[%swap3A, %swap3A_32], %max3A_31 {strides = array<i32>} : memref<1000x128xf32, #tpu.memory_space<vmem>>, vector<1000x128xf32>,
    %swap3A_34 = arith.constant 0 : index
    %swap3A_35 = arith.constant 0 : index
    %swap3A_36 = vector.load %arg8[%swap3A_34, %swap3A_35] : memref<1000x1xf32, #tpu.memory_space<vmem>>, vector<1000x1xf32>
    tpu.vector_store %arg8[%swap3A_34, %swap3A_35], %div3A_8 {strides = array<i32>} : memref<1000x1xf32, #tpu.memory_space<vmem>>, vector<1000x1xf32>,
    return
  }
  func.func @transform_0(%arg0: i32) -> (i32, i32) {
    %c0_i32 = arith.constant 0 : i32
    %c0_i32_0 = arith.constant 0 : i32
    return %arg0, %c0_i32 : i32, i32
  }
  func.func @transform_1(%arg0: i32) -> (i32, i32) {
    %c0_i32 = arith.constant 0 : i32
    %c0_i32_0 = arith.constant 0 : i32
    return %arg0, %c0_i32 : i32, i32
  }
  func.func @transform_2(%arg0: i32) -> (i32, i32) {
    %c0_i32 = arith.constant 0 : i32
    %c0_i32_0 = arith.constant 0 : i32
    return %arg0, %c0_i32 : i32, i32
  }
  func.func @transform_3(%arg0: i32) -> (i32, i32) {
    %c0_i32 = arith.constant 0 : i32
    %c0_i32_0 = arith.constant 0 : i32
    %c0_i32_1 = arith.constant 0 : i32
    return %c0_i32, %c0_i32_0 : i32, i32
  }
  func.func @transform_4(%arg0: i32) -> (i32, i32) {
    %c0_i32 = arith.constant 0 : i32
    %c0_i32_0 = arith.constant 0 : i32
    %c0_i32_1 = arith.constant 0 : i32
    return %c0_i32, %c0_i32_0 : i32, i32
  }
  func.func @transform_5(%arg0: i32) -> (i32, i32) {
    %c0_i32 = arith.constant 0 : i32
    %c0_i32_0 = arith.constant 0 : i32
    %c0_i32_1 = arith.constant 0 : i32
    return %c0_i32, %c0_i32_0 : i32, i32
  }
  func.func @transform_6(%arg0: i32) -> (i32, i32) {
    %c0_i32 = arith.constant 0 : i32
    %c0_i32_0 = arith.constant 0 : i32
    return %arg0, %c0_i32 : i32, i32
  }
  func.func @transform_7(%arg0: i32) -> (i32, i32) {
    %c0_i32 = arith.constant 0 : i32
    %c0_i32_0 = arith.constant 0 : i32
    return %arg0, %c0_i32 : i32, i32
  }
}

module attributes {stable_mosaic.version = 14 : i64} {
  func.func @_tc2_body(%arg0: i32, %arg1: memref<1000x128xf32, #tpu.memory_space<vmem>>, %arg2: memref<1000x128xf32, #tpu.memory_space<vmem>>, %arg3: memref<1000x128xf32, #tpu.memory_space<vmem>>, %arg4: memref<1000x1xf32, #tpu.memory_space<vmem>>, %arg5: memref<128x128xf32, #tpu.memory_space<vmem>>, %arg6: memref<128x128xf32, #tpu.memory_space<vmem>>, %arg7: memref<1x128xf32, #tpu.memory_space<vmem>>, %arg8: memref<1000x128xf32, #tpu.memory_space<vmem>>) attributes {dimension_semantics = [#tpu.dimension_semantics<arbitrary>], iteration_bounds = array<i64: 10>, scalar_prefetch = 0 : i64, scratch_operands = 0 : i64, tpu.core_type = #tpu.core_type<tc>, window_params = [{transform_indices = @transform_0, window_bounds = array<i64: 1000, 128>}, {transform_indices = @transform_1, window_bounds = array<i64: 1000, 128>}, {transform_indices = @transform_2, window_bounds = array<i64: 1000, 128>}, {transform_indices = @transform_3, window_bounds = array<i64: 1000, 1>}, {pipeline_mode = #tpu.pipeline_mode<synchronous>, transform_indices = @transform_4, window_bounds = array<i64: 128, 128>}, {pipeline_mode = #tpu.pipeline_mode<synchronous>, transform_indices = @transform_5, window_bounds = array<i64: 128, 128>}, {pipeline_mode = #tpu.pipeline_mode<synchronous>, transform_indices = @transform_6, window_bounds = array<i64: 1, 128>}, {transform_indices = @transform_7, window_bounds = array<i64: 1000, 128>}]} {
    %get3A = arith.constant 0 : index
    %get3A_0 = arith.constant 0 : index
    %get3A_1 = vector.load %arg1[%get3A, %get3A_0] : memref<1000x128xf32, #tpu.memory_space<vmem>>, vector<1000x128xf32>
    %get3A_2 = arith.constant 0 : index
    %get3A_3 = arith.constant 0 : index
    %get3A_4 = vector.load %arg2[%get3A_2, %get3A_3] : memref<1000x128xf32, #tpu.memory_space<vmem>>, vector<1000x128xf32>
    %add3A = arith.addf %get3A_1, %get3A_4 : vector<1000x128xf32>
    %get3A_5 = arith.constant 0 : index
    %get3A_6 = arith.constant 0 : index
    %get3A_7 = vector.load %arg4[%get3A_5, %get3A_6] : memref<1000x1xf32, #tpu.memory_space<vmem>>, vector<1000x1xf32>
    %mul3A = vector.broadcast %get3A_7 : vector<1000x1xf32> to vector<1000x128xf32>
    %mul3A_8 = arith.mulf %add3A, %mul3A : vector<1000x128xf32>
    %get3A_9 = arith.constant 0 : index
    %get3A_10 = arith.constant 0 : index
    %get3A_11 = vector.load %arg5[%get3A_9, %get3A_10] : memref<128x128xf32, #tpu.memory_space<vmem>>, vector<128x128xf32>
    %dot_general3A = arith.constant dense<0.000000e+00> : vector<1000x128xf32>
    %dot_general3A_12 = tpu.matmul %mul3A_8, %get3A_11, %dot_general3A {dimension_numbers = #tpu.dot_dimension_numbers<[1], [0], [0], [1], [0, 0, 1, 1], [], []>, transpose_lhs_hint = false} : vector<1000x128xf32>, vector<128x128xf32>, vector<1000x128xf32> -> vector<1000x128xf32>
    %get3A_13 = arith.constant 0 : index
    %get3A_14 = arith.constant 0 : index
    %get3A_15 = vector.load %arg3[%get3A_13, %get3A_14] : memref<1000x128xf32, #tpu.memory_space<vmem>>, vector<1000x128xf32>
    %get3A_16 = arith.constant 0 : index
    %get3A_17 = arith.constant 0 : index
    %get3A_18 = vector.load %arg6[%get3A_16, %get3A_17] : memref<128x128xf32, #tpu.memory_space<vmem>>, vector<128x128xf32>
    %dot_general3A_19 = arith.constant dense<0.000000e+00> : vector<1000x128xf32>
    %dot_general3A_20 = tpu.matmul %get3A_15, %get3A_18, %dot_general3A_19 {dimension_numbers = #tpu.dot_dimension_numbers<[1], [0], [0], [1], [0, 0, 1, 1], [], []>, transpose_lhs_hint = false} : vector<1000x128xf32>, vector<128x128xf32>, vector<1000x128xf32> -> vector<1000x128xf32>
    %add3A_21 = arith.addf %dot_general3A_12, %dot_general3A_20 : vector<1000x128xf32>
    %get3A_22 = arith.constant 0 : index
    %get3A_23 = arith.constant 0 : index
    %get3A_24 = vector.load %arg7[%get3A_22, %get3A_23] : memref<1x128xf32, #tpu.memory_space<vmem>>, vector<1x128xf32>
    %add3A_25 = vector.broadcast %get3A_24 : vector<1x128xf32> to vector<1000x128xf32>
    %add3A_26 = arith.addf %add3A_21, %add3A_25 : vector<1000x128xf32>
    %max3A = arith.constant 0.000000e+00 : f32
    %max3A_27 = vector.broadcast %max3A : f32 to vector<1000x128xf32>
    %max3A_28 = arith.maximumf %add3A_26, %max3A_27 : vector<1000x128xf32>
    %swap3A = arith.constant 0 : index
    %swap3A_29 = arith.constant 0 : index
    %swap3A_30 = vector.load %arg8[%swap3A, %swap3A_29] : memref<1000x128xf32, #tpu.memory_space<vmem>>, vector<1000x128xf32>
    tpu.vector_store %arg8[%swap3A, %swap3A_29], %max3A_28 {strides = array<i32>} : memref<1000x128xf32, #tpu.memory_space<vmem>>, vector<1000x128xf32>,
    return
  }
  func.func @transform_0(%arg0: i32) -> (i32, i32) {
    %c0_i32 = arith.constant 0 : i32
    %c0_i32_0 = arith.constant 0 : i32
    return %arg0, %c0_i32 : i32, i32
  }
  func.func @transform_1(%arg0: i32) -> (i32, i32) {
    %c0_i32 = arith.constant 0 : i32
    %c0_i32_0 = arith.constant 0 : i32
    return %arg0, %c0_i32 : i32, i32
  }
  func.func @transform_2(%arg0: i32) -> (i32, i32) {
    %c0_i32 = arith.constant 0 : i32
    %c0_i32_0 = arith.constant 0 : i32
    return %arg0, %c0_i32 : i32, i32
  }
  func.func @transform_3(%arg0: i32) -> (i32, i32) {
    %c0_i32 = arith.constant 0 : i32
    %c0_i32_0 = arith.constant 0 : i32
    return %arg0, %c0_i32 : i32, i32
  }
  func.func @transform_4(%arg0: i32) -> (i32, i32) {
    %c0_i32 = arith.constant 0 : i32
    %c0_i32_0 = arith.constant 0 : i32
    %c0_i32_1 = arith.constant 0 : i32
    return %c0_i32, %c0_i32_0 : i32, i32
  }
  func.func @transform_5(%arg0: i32) -> (i32, i32) {
    %c0_i32 = arith.constant 0 : i32
    %c0_i32_0 = arith.constant 0 : i32
    %c0_i32_1 = arith.constant 0 : i32
    return %c0_i32, %c0_i32_0 : i32, i32
  }
  func.func @transform_6(%arg0: i32) -> (i32, i32) {
    %c0_i32 = arith.constant 0 : i32
    %c0_i32_0 = arith.constant 0 : i32
    %c0_i32_1 = arith.constant 0 : i32
    return %c0_i32, %c0_i32_0 : i32, i32
  }
  func.func @transform_7(%arg0: i32) -> (i32, i32) {
    %c0_i32 = arith.constant 0 : i32
    %c0_i32_0 = arith.constant 0 : i32
    return %arg0, %c0_i32 : i32, i32
  }
}

module attributes {stable_mosaic.version = 14 : i64} {
  func.func @_tc3_body(%arg0: i32, %arg1: memref<10000x128xf32, #tpu.memory_space<vmem>>, %arg2: memref<8x128xf32, #tpu.memory_space<vmem>>, %arg3: memref<8x128xf32, #tpu.memory_space<vmem>>, %arg4: memref<16xf32, #tpu.memory_space<smem>>, %arg5: memref<1x10000xf32, #tpu.memory_space<vmem>>) attributes {dimension_semantics = [#tpu.dimension_semantics<arbitrary>], iteration_bounds = array<i64: 1>, scalar_prefetch = 0 : i64, scratch_operands = 0 : i64, tpu.core_type = #tpu.core_type<tc>, window_params = [{pipeline_mode = #tpu.pipeline_mode<synchronous>, transform_indices = @transform_0, window_bounds = array<i64: 10000, 128>}, {pipeline_mode = #tpu.pipeline_mode<synchronous>, transform_indices = @transform_1, window_bounds = array<i64: 8, 128>}, {pipeline_mode = #tpu.pipeline_mode<synchronous>, transform_indices = @transform_2, window_bounds = array<i64: 8, 128>}, {transform_indices = @transform_3, window_bounds = array<i64: 16>}, {pipeline_mode = #tpu.pipeline_mode<synchronous>, transform_indices = @transform_4, window_bounds = array<i64: 1, 10000>}]} {
    %get3A = arith.constant 0 : index
    %get3A_0 = arith.constant 0 : index
    %get3A_1 = vector.load %arg2[%get3A, %get3A_0] : memref<8x128xf32, #tpu.memory_space<vmem>>, vector<8x128xf32>
    %get3A_2 = arith.constant 0 : index
    %get3A_3 = arith.constant 0 : index
    %get3A_4 = vector.load %arg1[%get3A_2, %get3A_3] : memref<10000x128xf32, #tpu.memory_space<vmem>>, vector<10000x128xf32>
    %dot_general3A = arith.constant dense<0.000000e+00> : vector<8x10000xf32>
    %dot_general3A_5 = tpu.matmul %get3A_1, %get3A_4, %dot_general3A {dimension_numbers = #tpu.dot_dimension_numbers<[1], [1], [0], [0], [0, 0, 1, 0], [], []>, transpose_lhs_hint = false} : vector<8x128xf32>, vector<10000x128xf32>, vector<8x10000xf32> -> vector<8x10000xf32>
    %get3A_6 = arith.constant 0 : index
    %get3A_7 = arith.constant 0 : index
    %get3A_8 = vector.load %arg3[%get3A_6, %get3A_7] : memref<8x128xf32, #tpu.memory_space<vmem>>, vector<8x1xf32>
    %add3A = vector.broadcast %get3A_8 : vector<8x1xf32> to vector<8x10000xf32>
    %add3A_9 = arith.addf %dot_general3A_5, %add3A : vector<8x10000xf32>
    %cos3A = math.cos %add3A_9 : vector<8x10000xf32>
    %sin3A = math.sin %add3A_9 : vector<8x10000xf32>
    %slice3A = vector.extract_strided_slice %cos3A {offsets = [0, 0], sizes = [1, 10000], strides = [1, 1]} : vector<8x10000xf32> to vector<1x10000xf32>
    %slice3A_10 = vector.extract_strided_slice %cos3A {offsets = [1, 0], sizes = [1, 10000], strides = [1, 1]} : vector<8x10000xf32> to vector<1x10000xf32>
    %slice3A_11 = vector.extract_strided_slice %cos3A {offsets = [2, 0], sizes = [1, 10000], strides = [1, 1]} : vector<8x10000xf32> to vector<1x10000xf32>
    %slice3A_12 = vector.extract_strided_slice %cos3A {offsets = [3, 0], sizes = [1, 10000], strides = [1, 1]} : vector<8x10000xf32> to vector<1x10000xf32>
    %slice3A_13 = vector.extract_strided_slice %sin3A {offsets = [0, 0], sizes = [1, 10000], strides = [1, 1]} : vector<8x10000xf32> to vector<1x10000xf32>
    %slice3A_14 = vector.extract_strided_slice %sin3A {offsets = [1, 0], sizes = [1, 10000], strides = [1, 1]} : vector<8x10000xf32> to vector<1x10000xf32>
    %slice3A_15 = vector.extract_strided_slice %sin3A {offsets = [2, 0], sizes = [1, 10000], strides = [1, 1]} : vector<8x10000xf32> to vector<1x10000xf32>
    %slice3A_16 = vector.extract_strided_slice %sin3A {offsets = [3, 0], sizes = [1, 10000], strides = [1, 1]} : vector<8x10000xf32> to vector<1x10000xf32>
    %get3A_17 = arith.constant 0 : index
    %get3A_18 = memref.load %arg4[%get3A_17] : memref<16xf32, #tpu.memory_space<smem>>
    %mul3A = arith.mulf %slice3A_10, %slice3A_12 : vector<1x10000xf32>
    %mul3A_19 = vector.broadcast %get3A_18 : f32 to vector<1x10000xf32>
    %mul3A_20 = arith.mulf %mul3A_19, %mul3A : vector<1x10000xf32>
    %get3A_21 = arith.constant 1 : index
    %get3A_22 = memref.load %arg4[%get3A_21] : memref<16xf32, #tpu.memory_space<smem>>
    %mul3A_23 = arith.mulf %slice3A, %slice3A_14 : vector<1x10000xf32>
    %mul3A_24 = arith.mulf %mul3A_23, %slice3A_15 : vector<1x10000xf32>
    %mul3A_25 = arith.mulf %mul3A_24, %slice3A_12 : vector<1x10000xf32>
    %mul3A_26 = vector.broadcast %get3A_22 : f32 to vector<1x10000xf32>
    %mul3A_27 = arith.mulf %mul3A_26, %mul3A_25 : vector<1x10000xf32>
    %add3A_28 = arith.addf %mul3A_20, %mul3A_27 : vector<1x10000xf32>
    %get3A_29 = arith.constant 2 : index
    %get3A_30 = memref.load %arg4[%get3A_29] : memref<16xf32, #tpu.memory_space<smem>>
    %mul3A_31 = arith.mulf %slice3A_13, %slice3A_15 : vector<1x10000xf32>
    %mul3A_32 = arith.mulf %mul3A_31, %slice3A_12 : vector<1x10000xf32>
    %mul3A_33 = vector.broadcast %get3A_30 : f32 to vector<1x10000xf32>
    %mul3A_34 = arith.mulf %mul3A_33, %mul3A_32 : vector<1x10000xf32>
    %add3A_35 = arith.addf %add3A_28, %mul3A_34 : vector<1x10000xf32>
    %get3A_36 = arith.constant 3 : index
    %get3A_37 = memref.load %arg4[%get3A_36] : memref<16xf32, #tpu.memory_space<smem>>
    %mul3A_38 = arith.mulf %slice3A, %slice3A_11 : vector<1x10000xf32>
    %mul3A_39 = arith.mulf %mul3A_38, %slice3A_16 : vector<1x10000xf32>
    %mul3A_40 = vector.broadcast %get3A_37 : f32 to vector<1x10000xf32>
    %mul3A_41 = arith.mulf %mul3A_40, %mul3A_39 : vector<1x10000xf32>
    %add3A_42 = arith.addf %add3A_35, %mul3A_41 : vector<1x10000xf32>
    %get3A_43 = arith.constant 4 : index
    %get3A_44 = memref.load %arg4[%get3A_43] : memref<16xf32, #tpu.memory_space<smem>>
    %mul3A_45 = arith.mulf %slice3A_13, %slice3A_14 : vector<1x10000xf32>
    %mul3A_46 = arith.mulf %mul3A_45, %slice3A_11 : vector<1x10000xf32>
    %mul3A_47 = arith.mulf %mul3A_46, %slice3A_16 : vector<1x10000xf32>
    %mul3A_48 = vector.broadcast %get3A_44 : f32 to vector<1x10000xf32>
    %mul3A_49 = arith.mulf %mul3A_48, %mul3A_47 : vector<1x10000xf32>
    %add3A_50 = arith.addf %add3A_42, %mul3A_49 : vector<1x10000xf32>
    %get3A_51 = arith.constant 5 : index
    %get3A_52 = memref.load %arg4[%get3A_51] : memref<16xf32, #tpu.memory_space<smem>>
    %mul3A_53 = arith.mulf %slice3A_10, %slice3A_15 : vector<1x10000xf32>
    %mul3A_54 = vector.broadcast %get3A_52 : f32 to vector<1x10000xf32>
    %mul3A_55 = arith.mulf %mul3A_54, %mul3A_53 : vector<1x10000xf32>
    %add3A_56 = arith.addf %add3A_50, %mul3A_55 : vector<1x10000xf32>
    %get3A_57 = arith.constant 6 : index
    %get3A_58 = memref.load %arg4[%get3A_57] : memref<16xf32, #tpu.memory_space<smem>>
    %mul3A_59 = arith.mulf %slice3A, %slice3A_14 : vector<1x10000xf32>
    %mul3A_60 = vector.broadcast %get3A_58 : f32 to vector<1x10000xf32>
    %mul3A_61 = arith.mulf %mul3A_60, %mul3A_59 : vector<1x10000xf32>
    %add3A_62 = arith.addf %add3A_56, %mul3A_61 : vector<1x10000xf32>
    %get3A_63 = arith.constant 7 : index
    %get3A_64 = memref.load %arg4[%get3A_63] : memref<16xf32, #tpu.memory_space<smem>>
    %mul3A_65 = vector.broadcast %get3A_64 : f32 to vector<1x10000xf32>
    %mul3A_66 = arith.mulf %mul3A_65, %slice3A_13 : vector<1x10000xf32>
    %add3A_67 = arith.addf %add3A_62, %mul3A_66 : vector<1x10000xf32>
    %get3A_68 = arith.constant 8 : index
    %get3A_69 = memref.load %arg4[%get3A_68] : memref<16xf32, #tpu.memory_space<smem>>
    %mul3A_70 = vector.broadcast %get3A_69 : f32 to vector<1x10000xf32>
    %mul3A_71 = arith.mulf %add3A_67, %mul3A_70 : vector<1x10000xf32>
    %get3A_72 = arith.constant 9 : index
    %get3A_73 = memref.load %arg4[%get3A_72] : memref<16xf32, #tpu.memory_space<smem>>
    %add3A_74 = vector.broadcast %get3A_73 : f32 to vector<1x10000xf32>
    %add3A_75 = arith.addf %mul3A_71, %add3A_74 : vector<1x10000xf32>
    %neg3A = arith.constant 0.000000e+00 : f32
    %neg3A_76 = vector.broadcast %neg3A : f32 to vector<1x10000xf32>
    %neg3A_77 = arith.subf %neg3A_76, %add3A_75 : vector<1x10000xf32>
    %exp3A = math.exp %neg3A_77 : vector<1x10000xf32>
    %add3A_78 = arith.constant 1.000000e+00 : f32
    %add3A_79 = vector.broadcast %add3A_78 : f32 to vector<1x10000xf32>
    %add3A_80 = arith.addf %add3A_79, %exp3A : vector<1x10000xf32>
    %div3A = arith.constant 1.000000e+00 : f32
    %div3A_81 = vector.broadcast %div3A : f32 to vector<1x10000xf32>
    %div3A_82 = arith.divf %div3A_81, %add3A_80 : vector<1x10000xf32>
    %swap3A = arith.constant 0 : index
    %swap3A_83 = arith.constant 0 : index
    %swap3A_84 = vector.load %arg5[%swap3A, %swap3A_83] : memref<1x10000xf32, #tpu.memory_space<vmem>>, vector<1x10000xf32>
    tpu.vector_store %arg5[%swap3A, %swap3A_83], %div3A_82 {strides = array<i32>} : memref<1x10000xf32, #tpu.memory_space<vmem>>, vector<1x10000xf32>,
    return
  }
  func.func @transform_0(%arg0: i32) -> (i32, i32) {
    %c0_i32 = arith.constant 0 : i32
    %c0_i32_0 = arith.constant 0 : i32
    %c0_i32_1 = arith.constant 0 : i32
    return %c0_i32, %c0_i32_0 : i32, i32
  }
  func.func @transform_1(%arg0: i32) -> (i32, i32) {
    %c0_i32 = arith.constant 0 : i32
    %c0_i32_0 = arith.constant 0 : i32
    %c0_i32_1 = arith.constant 0 : i32
    return %c0_i32, %c0_i32_0 : i32, i32
  }
  func.func @transform_2(%arg0: i32) -> (i32, i32) {
    %c0_i32 = arith.constant 0 : i32
    %c0_i32_0 = arith.constant 0 : i32
    %c0_i32_1 = arith.constant 0 : i32
    return %c0_i32, %c0_i32_0 : i32, i32
  }
  func.func @transform_3(%arg0: i32) -> i32 {
    %c0_i32 = arith.constant 0 : i32
    %c0_i32_0 = arith.constant 0 : i32
    return %c0_i32 : i32
  }
  func.func @transform_4(%arg0: i32) -> (i32, i32) {
    %c0_i32 = arith.constant 0 : i32
    %c0_i32_0 = arith.constant 0 : i32
    %c0_i32_1 = arith.constant 0 : i32
    return %c0_i32, %c0_i32_0 : i32, i32
  }
}

</mosaic_0001>

<sc_bundles>
// kernel: kernel.10.cloned.1.call-start
scs
__scs_entry_jumppad:
0x0: {  	(pc) =	sbr.rel $0x88, $3  }
0x1: {  	(tag) =	ssettag $0x0;
	lr =	simm.s32 $0x1  }
0x2: {  	[smem:$0x3F94] =	sst lr;
	_ =	strace $0xD0000000  }
0x3: {  	_ = 	snop  }
0x4: {  	_ = 	snop  }
0x5: {  	_ = 	snop  }
0x6: {  	_ = 	snop  }
0x7: {  	_ = 	snop  }
__scs_overlays_trampoline_lowered:
0x8: {  	[smem:$0x3FA3] =	sst s0  }
0x9: {  	[smem:$0x3FA4] =	sst s1  }
0xa: {  	[smem:$0x3FA5] =	sst s2  }
0xb: {  	[smem:$0x3FA6] =	sst s3  }
0xc: {  	[smem:$0x3FA7] =	sst s4  }
0xd: {  	[smem:$0x3FA8] =	sst s5  }
0xe: {  	[smem:$0x3FA9] =	sst s6  }
0xf: {  	[smem:$0x3FAA] =	sst s7  }
0x10: {  	[smem:$0x3FAB] =	sst s8  }
0x11: {  	[smem:$0x3FAC] =	sst s9;
	s0 =	simm.s32 @!p0 $0x0  }
0x12: {  	s1 =	sld [smem:$0x3F92];
	s0 =	simm.s32 @p0 $0x1  }
0x13: {  	[smem:$0x3FAD] =	sst s0;
	s0 =	simm.s32 @!p1 $0x0  }
0x14: {  	s2 =	sld [smem:$0x3F91];
	s0 =	simm.s32 @p1 $0x1  }
0x15: {  	[smem:$0x3FAE] =	sst s0;
	s0 =	simm.s32 @!p2 $0x0  }
0x16: {  	s3 =	sld [smem:$0x3FDB];
	s0 =	simm.s32 @p2 $0x1  }
0x17: {  	s4 =	simm.s32 $0x1BF5;
	[smem:$0x3FB0] =	sst s0  }
0x18: {  	s0 =	sld [smem:$0x3F93];
	_ =	swait.ge [sflag:s4], $0x0  }
0x19: {  	s7 =	sld [smem:$0x3F94]  }
0x1a: {  	s8 =	sadd.s32 $0xFFFFE003, lr  }
0x1b: {  	s9 =	sadd.s32 $0xFFFFFEF7, lr;
	s5 =	simm.s32 $0xFFFFFFFF;
	p2 =	slt.u32 s8, $0xFFFFF086  }
0x1c: {  	p1 =	slt.u32 s9, $0xF7A;
	s5 =	simm.s32 @!p2 $0x0  }
0x1d: {  	s5 =	simm.s32 @p1 $0x1;
	p0 =	seq.s32 s7, s2  }
0x1e: {  	s7 =	smul.u32 @!p0 $0xF7A, s2;
	p2 =	seq.s32 @!p0 s5, $0x0  }
0x1f: {  	s9 =	smul.u32 $0xF7A, s1;
	s8 =	simm.s32 @!p0 $0x1BF5;
	p2 =	por !p2, p0  }
0x20: {  	[sflag:s8] =	ssyncset.s32 @!p0 $0xFFFFF086;
	s6 =	sadd.s32 @!p0 s3, s7;
	s7 =	simm.s32 @!p0 $0x108  }
0x21: {  	s3 =	sadd.s32 s3, s9;
	s6 =	sadd.s32 @!p0 $0x88, s6;
	s7 =	simm.s32 @p2 $0x1082  }
0x22: {  	[simem:s7], [sflag:s8] =	dma.local @!p0 [hbm:s6], $0xF7A  }
0x23: {  	s9 =	sor.u32 $0xD0000000, s2;
	s6 =	simm.s32 $0x108;
	_ =	swait.ge @!p0 [sflag:s8], $0x0  }
0x24: {  	s3 =	sadd.s32 $0x88, s3;
	s6 =	simm.s32 @!p1 $0x1082;
	[sflag:s4] =	ssyncset.s32 $0xFFFFF086  }
0x25: {  	[simem:s6], [sflag:s4] =	dma.local [hbm:s3], $0xF7A  }
0x26: {  	[smem:$0x3F94] =	sst s1;
	(tag) =	ssettag s2;
	_ =	strace s9  }
0x27: {  	s1 =	sld [smem:$0x3FA4]  }
0x28: {  	s2 =	sld [smem:$0x3FA5]  }
0x29: {  	s4 =	sld [smem:$0x3FA7]  }
0x2a: {  	p0 =	seq.s32 s5, $0x0;
	s5 =	sld [smem:$0x3FA8]  }
0x2b: {  	s6 =	sld [smem:$0x3FA9]  }
0x2c: {  	s7 =	sld [smem:$0x3FAA]  }
0x2d: {  	s3 =	simm.s32 $0x108;
	s8 =	sld [smem:$0x3FAB]  }
0x2e: {  	s3 =	simm.s32 @!p0 $0x1082;
	s9 =	sld [smem:$0x3FAC]  }
0x2f: {  	lr =	sadd.s32 s0, s3;
	s0 =	sld [smem:$0x3FA3]  }
0x30: {  	s3 =	sld [smem:$0x3FA6]  }
0x31: {  	[smem:$0x3FAF] =	sst s10  }
0x32: {  	s10 =	sld [smem:$0x3FAD];
	_ =	sdelay $0x3  }
0x33: {  	p0 =	seq.s32 s10, $0x1;
	s10 =	sld [smem:$0x3FAF];
	_ =	sdelay $0x3  }
0x34: {  	[smem:$0x3FAF] =	sst s10  }
0x35: {  	s10 =	sld [smem:$0x3FAE];
	_ =	sdelay $0x3  }
0x36: {  	p1 =	seq.s32 s10, $0x1;
	s10 =	sld [smem:$0x3FAF];
	_ =	sdelay $0x3  }
0x37: {  	[smem:$0x3FAF] =	sst s10  }
0x38: {  	s10 =	sld [smem:$0x3FB0]  }
0x39: {  	_ = 	snop;
	(pc) =	sbr.ind lr, $3  }
0x3a: {  	_ = 	snop  }
0x3b: {  	_ = 	snop  }
0x3c: {  	p2 =	seq.s32 s10, $0x1;
	s10 =	sld [smem:$0x3FAF]  }
0x3d: {  	_ =	shalt  }
0x3e: {  	_ =	shalt  }
0x3f: {  	_ =	shalt  }
0x40: {  	_ =	shalt  }
0x41: {  	_ =	shalt  }
0x42: {  	_ =	shalt  }
0x43: {  	_ =	shalt  }
0x44: {  	_ =	shalt  }
0x45: {  	_ =	shalt  }
0x46: {  	_ =	shalt  }
0x47: {  	_ =	shalt  }
0x48: {  	_ =	shalt  }
0x49: {  	_ =	shalt  }
0x4a: {  	_ =	shalt  }
0x4b: {  	_ =	shalt  }
0x4c: {  	_ =	shalt  }
0x4d: {  	_ =	shalt  }
0x4e: {  	_ =	shalt  }
0x4f: {  	_ =	shalt  }
0x50: {  	_ =	shalt  }
0x51: {  	_ =	shalt  }
0x52: {  	_ =	shalt  }
0x53: {  	_ =	shalt  }
0x54: {  	_ =	shalt  }
0x55: {  	_ =	shalt  }
0x56: {  	_ =	shalt  }
0x57: {  	_ =	shalt  }
0x58: {  	_ =	shalt  }
0x59: {  	_ =	shalt  }
0x5a: {  	_ =	shalt  }
0x5b: {  	_ =	shalt  }
0x5c: {  	_ =	shalt  }
0x5d: {  	_ =	shalt  }
0x5e: {  	_ =	shalt  }
0x5f: {  	_ =	shalt  }
0x60: {  	_ =	shalt  }
0x61: {  	_ =	shalt  }
0x62: {  	_ =	shalt  }
0x63: {  	_ =	shalt  }
0x64: {  	_ =	shalt  }
0x65: {  	_ =	shalt  }
0x66: {  	_ =	shalt  }
0x67: {  	_ =	shalt  }
0x68: {  	_ =	shalt  }
0x69: {  	_ =	shalt  }
0x6a: {  	_ =	shalt  }
0x6b: {  	_ =	shalt  }
0x6c: {  	_ =	shalt  }
0x6d: {  	_ =	shalt  }
0x6e: {  	_ =	shalt  }
0x6f: {  	_ =	shalt  }
0x70: {  	_ =	shalt  }
0x71: {  	_ =	shalt  }
0x72: {  	_ =	shalt  }
0x73: {  	_ =	shalt  }
0x74: {  	_ =	shalt  }
0x75: {  	_ =	shalt  }
0x76: {  	_ =	shalt  }
0x77: {  	_ =	shalt  }
0x78: {  	_ =	shalt  }
0x79: {  	_ =	shalt  }
0x7a: {  	_ =	shalt  }
0x7b: {  	_ =	shalt  }
0x7c: {  	_ =	shalt  }
0x7d: {  	_ =	shalt  }
0x7e: {  	_ =	shalt  }
0x7f: {  	_ =	shalt  }
0x80: {  	_ =	shalt  }
0x81: {  	_ =	shalt  }
0x82: {  	_ =	shalt  }
0x83: {  	_ =	shalt  }
0x84: {  	_ =	shalt  }
0x85: {  	_ =	shalt  }
0x86: {  	_ =	shalt  }
0x87: {  	_ =	shalt  }
.Lfunc_end0:
.L_simem_size_0:
called_computation.1_lowered:
.L_overlay_start_0:
0x88: {  	s2 =	sld [smem:$0x3FD9]  }
0x89: {  	s3 =	sld [smem:$0x3FFE];
	_ =	sdelay $0x1  }
0x8a: {  	s1 =	srdreg.scid  }
0x8b: {  	s0 =	sand.u32 $0x1, s1  }
0x8c: {  	s16 =	sshll.u32 s0, $0xA;
	s2 =	sadd.s32 s3, s2  }
0x8d: {  	s2 =	sadd.s32 s2, s16  }
0x8e: {  	[smem:$0x3FBB] =	sst s2  }
0x8f: {  	_ = 	snop  }
0x90: {  	(tm) =	ssettm $0x1  }
0x91: {  	s17 =	sld [smem:$0x3FFB];
	_ =	sdelay $0x3  }
0x92: {  	_ =	strace s17  }
0x93: {  	s2 =	sld [smem:$0x3FFC];
	_ =	sdelay $0x3  }
0x94: {  	_ =	strace s2  }
0x95: {  	s2 =	sld [smem:$0x3FFD];
	_ =	sdelay $0x3  }
0x96: {  	_ =	strace s2  }
0x97: {  	_ =	strace $0x8FFFFFFF  }
0x98: {  	s18 =	sld [smem:$0x3FDB];
	_ =	sdelay $0x1  }
0x99: {  	s19 =	simm.s32 $_scs_section_size  }
0x9a: {  	s4 =	simm.s32 $_size__tile_overlayer_lowered;
	s5 =	simm.s32 $_tile_overlayer_lowered  }
0x9b: {  	s22 =	simm.s32 $0x1BFF;
	s21 =	sshll.u32 s5, $0x1;
	s2 =	sadd.s32 s19, s18  }
0x9c: {  	s6 =	simm.s32 $0x0;
	s20 =	sshll.u32 s4, $0x1;
	s4 =	sadd.s32 s21, s2  }
0x9d: {  	[timem:s6], [sflag:s22] =	dma.local [hbm:s4], s20  }
0x9e: {  	_ =	swait.ge [sflag:s22], s20  }
0x9f: {  	s3 =	ssub.s32 $0x0, s20;
	[sflag:s22] =	ssyncset.done $0x0  }
0xa0: {  	[sflag:s22] =	ssyncadd.s32 s3;
	_ =	sdelay $0x1  }
0xa1: {  	s23 =	simm.s32 $0x1B8B  }
0xa2: {  	_ =	swait.ge [sflag:s23], $0x1  }
0xa3: {  	[sflag:s23] =	ssyncset.done $0x0  }
0xa4: {  	s25 =	simm.s32 $0x1B8E;
	s24 =	sld [smem:$0x3FFE];
	[sflag:s23] =	ssyncadd.s32 $0xFFFFFFFF  }
0xa5: {  	s26 =	simm.s32 $execute0_lowered;
	[smem:$0x3FD2] =	sst s25  }
0xa6: {  	s4 =	sshll.u32 s26, $0x1;
	_ =	strace $0x80000049;
	[dreg:$0x1] =	wrdreg $0xFFFFFFFF  }
0xa7: {  	s28 =	simm.s32 $_size_execute0_lowered;
	s2 =	sadd.s32 s2, s4;
	[dreg:$0x0] =	wrdreg $0x0  }
0xa8: {  	s4 =	sshll.u32 s28, $0x1;
	[dreg:$0x2] =	wrdreg s2  }
0xa9: {  	[dreg:$0x3] =	wrdreg s4  }
0xaa: {  	[dreg:$0x4] =	wrdreg $0xC0  }
0xab: {  	_ =	task [dreg:s6], $0x5FFFF  }
0xac: {  	[dreg:$0x1] =	wrdreg $0xFFFFFFFF  }
0xad: {  	[dreg:$0x0] =	wrdreg $0x60  }
0xae: {  	[dreg:$0x2] =	wrdreg s24  }
0xaf: {  	[dreg:$0x3] =	wrdreg $0x90000  }
0xb0: {  	[dreg:$0x4] =	wrdreg $0x9  }
0xb1: {  	_ =	task.clear_ibuf [dreg:s6], $0x5FFFF;
	_ =	strace $0x90000049  }
0xb2: {  	s29 =	simm.s32 $0x9;
	_ =	strace $0x8000004B  }
0xb3: {  	_ =	swait.ge [sflag:s29], $0x1  }
0xb4: {  	[sflag:s29] =	ssyncadd.s32 $0xFFFFFFFF  }
0xb5: {  	_ =	strace $0x9000004B  }
0xb6: {  	_ =	sfence  }
0xb7: {  	s30 =	sld [smem:$0x0];
	_ =	sdelay $0x2  }
0xb8: {  	s31 =	sshll.u32 s1, $0xD;
	s1 =	sshrl.u32 s1, $0x2  }
0xb9: {  	s3 =	sand.u32 $0x4000, s31;
	s1 =	sadd.s32 s1, s30  }
0xba: {  	s0 =	sor.u32 s3, s0;
	s1 =	sshll.u32 s1, $0x11  }
0xbb: {  	s0 =	sor.u32 s1, s0  }
0xbc: {  	s0 =	sadd.s32 $0x8F2B, s0  }
0xbd: {  	[sflag:s0] =	ssyncadd.remote.s32 $0x1  }
0xbe: {  	_ =	sfence.sel $0xFFFF  }
0xbf: {  	[dreg:$0x0] =	wrdreg $0xFFFFFFFF;
	(pc) =	sbr.abs _section_cstart, $3  }
0xc0: {  	[dreg:$0x1] =	wrdreg $0xFFFFFFFF  }
0xc1: {  	_ =	task.clear_ibuf [dreg:s6], $0x2FFFF;
	_ =	strace $0x9FFFFFFF  }
0xc2: {  	(tm) =	ssettm $0x7FFFFFFF  }
0xc3: {  	_ =	shalt  }
tec
execute0_lowered:
.L_overlay_start_1:
0x0: {  	(tag) =	ssettag $0x1  }
0x1: {  	s0 =	srdreg.scid;
	s26 =	stileid.u32  }
0x2: {  	s1 =	rddreg [dreg:$0x0];
	s6 =	smul.u32 $0x50000, s26  }
0x3: {  	s2 =	rddreg [dreg:$0x1];
	s0 =	sand.u32 $0x1, s0;
	s17 =	smul.u32 $0x14000, s26  }
0x4: {  	p1 =	seq.s32 s26, $0xF;
	s3 =	sshll.u32 s0, $0x4;
	s7 =	ssub.s32 $0x2, s0  }
0x5: {  	p0 =	seq.s32 s0, $0x1;
	s4 =	sor.u32 s26, s3;
	s3 =	simm.s32 $0x0  }
0x6: {  	s8 =	sshrl.u32 s6, $0x2;
	s6 =	sadd.s32 $0x91A00, s1;
	s23 =	sshrl.u32 s7, $0x1  }
0x7: {  	s13 =	sor.u32 $0x2800, s17;
	s14 =	sadd.s32 $0x5000, s17;
	s15 =	sadd.s32 $0x7800, s17  }
0x8: {  	s16 =	sadd.s32 $0xA000, s17;
	s19 =	sadd.s32 $0xC800, s17;
	s24 =	sadd.s32 $0xF000, s17  }
0x9: {  	s5 =	smul.u32 $0x500, s4;
	[smem:$0x7FF] =	sst s3;
	s4 =	sadd.s32 $0x3600, s1  }
0xa: {  	s10 =	sadd.s32 s8, s2;
	s0 =	sshrl.u32 s13, $0x3;
	s13 =	sadd.s32 s13, s2  }
0xb: {  	s18 =	sshrl.u32 s14, $0x3;
	s14 =	sadd.s32 s14, s2;
	s20 =	sshrl.u32 s15, $0x3  }
0xc: {  	s15 =	sadd.s32 s15, s2;
	s21 =	sshrl.u32 s16, $0x3;
	s16 =	sadd.s32 s16, s2  }
0xd: {  	s22 =	sshrl.u32 s19, $0x3;
	s25 =	sshrl.u32 s24, $0x3;
	_ =	strace $0x8000004A  }
0xe: {  	s8 =	sadd.s32 $0x8000, s10;
	s9 =	sadd.s32 $0xC000, s10;
	[dreg:$0x3] =	wrdreg s22  }
0xf: {  	[dreg:$0x4] =	wrdreg s25;
	s22 =	sadd.s32 s24, s2;
	s24 =	sshrl.u32 s17, $0x3  }
0x10: {  	s29 =	sadd.s32 s6, s20;
	s31 =	sadd.s32 s6, s21;
	s12 =	sadd.s32 s5, s1  }
0x11: {  	s5 =	sadd.s32 $0x6A800, s1;
	s1 =	ssub.s32 s7, s23;
	s7 =	sadd.s32 $0x4000, s10  }
0x12: {  	s23 =	sadd.s32 s19, s2;
	s19 =	sadd.s32 s17, s2;
	s17 =	sadd.s32 $0x11800, s17  }
0x13: {  	s10 =	sadd.s32 $0x10000, s10;
	s11 =	sadd.s32 $0x2F600, s12;
	s25 =	sshrl.u32 s17, $0x3  }
0x14: {  	s12 =	sadd.s32 $0x39600, s12;
	s28 =	sadd.s32 s5, s24;
	[dreg:$0x5] =	wrdreg s25  }
0x15: {  	s24 =	sadd.s32 s6, s24;
	s30 =	sadd.s32 s5, s21;
	[dreg:$0x6] =	wrdreg s28  }
0x16: {  	s1 =	smax.u32 s1, $0x1;
	[dreg:$0x7] =	wrdreg s24;
	s28 =	sadd.s32 s5, s0  }
0x17: {  	s25 =	sadd.s32 s17, s2;
	s0 =	sadd.s32 s6, s0;
	[dreg:$0x8] =	wrdreg s28  }
.Ltmp0:
0x18: {  	s17 =	sadd.s32 s5, s18;
	[dreg:$0x9] =	wrdreg s0;
	(pc) =	sbr.rel .LBB2_1-.Ltmp0, $4  }
0x19: {  	s21 =	simm.s32 $0x1;
	s24 =	sadd.s32 s6, s18;
	[dreg:$0xa] =	wrdreg s17  }
0x1a: {  	[dreg:$0xb] =	wrdreg s24;
	s28 =	sadd.s32 s5, s20;
	s0 =	sshrl.u32 s23, $0x3  }
0x1b: {  	s17 =	sshrl.u32 s22, $0x3;
	s18 =	sshrl.u32 s25, $0x3;
	s20 =	simm.s32 $0x5000  }
0x1c: {  	v0 =	vimm.f32 $0.0e+00;
	s22 =	simm.s32 $0x2800;
	s23 =	simm.s32 $0x80;
	[dreg:$0xc] =	wrdreg s28  }
.LBB2_8:
0x1d: {  	s26 =	rddreg [dreg:$0x3]  }
0x1e: {  	s26 =	sadd.s32 s25, s26  }
0x1f: {  	[hbm:s26], [sflag:s24] =	dma.local [spmem:s0], $0x500  }
0x20: {  	_ =	swait.ge [sflag:s21], $0x500  }
0x21: {  	[sflag:s21] =	ssyncset.done $0x0;
	s28 =	rddreg [dreg:$0x4]  }
0x22: {  	s26 =	sadd.s32 s25, s28;
	[sflag:s21] =	ssyncadd.s32 $0xFFFFFB00  }
0x23: {  	[hbm:s26], [sflag:s24] =	dma.local [spmem:s17], $0x500  }
0x24: {  	_ =	swait.ge [sflag:s21], $0x500  }
0x25: {  	[sflag:s21] =	ssyncset.done $0x0;
	s28 =	rddreg [dreg:$0x5]  }
0x26: {  	s28 =	sadd.s32 s25, s28;
	[sflag:s21] =	ssyncadd.s32 $0xFFFFFB00  }
0x27: {  	[hbm:s28], [sflag:s24] =	dma.local [spmem:s18], $0x500  }
0x28: {  	_ =	swait.ge [sflag:s21], $0x500  }
0x29: {  	[sflag:s21] =	ssyncset.done $0x0  }
0x2a: {  	[sflag:s21] =	ssyncadd.s32 $0xFFFFFB00  }
.LBB2_9:
0x2b: {  	s3 =	sadd.s32 $0x1, s3  }
0x2c: {  	p2 =	sne.s32 s3, s1  }
.Ltmp1:
0x2d: {  	_ = 	snop;
	(pc) =	sbr.rel @!p2 .LBB2_10-.Ltmp1, $1  }
0x2e: {  	_ =	sdelay $0x3  }
.LBB2_1:
0x2f: {  	s24 =	simm.s32 $0x0;
	s25 =	simm.s32 $0x200  }
.LBB2_2:
0x30: {  	p2 =	sne.s32 s25, $0xFE00;
	[tilespmem:s24+$0x5070] =	vst v0  }
0x31: {  	[tilespmem:s24+$0x5000] =	vst v0  }
0x32: {  	[tilespmem:s24+$0x5010] =	vst v0  }
.Ltmp2:
0x33: {  	[tilespmem:s24+$0x5020] =	vst v0;
	(pc) =	sbr.rel @p2 .LBB2_2-.Ltmp2, $4  }
0x34: {  	[tilespmem:s24+$0x5030] =	vst v0  }
0x35: {  	[tilespmem:s24+$0x5040] =	vst v0  }
0x36: {  	[tilespmem:s24+$0x5050] =	vst v0  }
0x37: {  	[tilespmem:s24+$0x5060] =	vst v0;
	s24 =	sshra.s32 s25, $0x2;
	s25 =	sadd.s32 $0x200, s25  }
0x38: {  	[tilespmem:s24+$0x5070] =	vst v0  }
0x39: {  	[tilespmem:s24+$0x5000] =	vst v0  }
0x3a: {  	[tilespmem:s24+$0x5010] =	vst v0  }
0x3b: {  	[tilespmem:s24+$0x5020] =	vst v0  }
0x3c: {  	[tilespmem:s24+$0x5030] =	vst v0  }
0x3d: {  	[tilespmem:s24+$0x5040] =	vst v0  }
0x3e: {  	[tilespmem:s24+$0x5050] =	vst v0  }
0x3f: {  	[tilespmem:s24+$0x5060] =	vst v0  }
0x40: {  	[spmem:s19] =	stream.linear.scatter [tilespmem:s20], [sflag:$0x1], $0x4000, $0x38;
	[tilespmem:$0x1D000] =	vst v63  }
0x41: {  	_ =	swait.ge [sflag:s21], $0x4000  }
0x42: {  	[sflag:s21] =	ssyncset.done $0x0  }
0x43: {  	[sflag:s21] =	ssyncadd.s32 $0xFFFFC000  }
0x44: {  	[spmem:s7] =	stream.linear.scatter [tilespmem:s20], [sflag:$0x1], $0x4000, $0x38;
	[tilespmem:$0x1D000] =	vst v63  }
0x45: {  	_ =	swait.ge [sflag:s21], $0x4000  }
0x46: {  	[sflag:s21] =	ssyncset.done $0x0  }
0x47: {  	[sflag:s21] =	ssyncadd.s32 $0xFFFFC000  }
0x48: {  	[spmem:s8] =	stream.linear.scatter [tilespmem:s20], [sflag:$0x1], $0x4000, $0x38;
	[tilespmem:$0x1D000] =	vst v63  }
0x49: {  	_ =	swait.ge [sflag:s21], $0x4000  }
0x4a: {  	[sflag:s21] =	ssyncset.done $0x0  }
0x4b: {  	[sflag:s21] =	ssyncadd.s32 $0xFFFFC000  }
0x4c: {  	[spmem:s9] =	stream.linear.scatter [tilespmem:s20], [sflag:$0x1], $0x4000, $0x38;
	[tilespmem:$0x1D000] =	vst v63  }
0x4d: {  	_ =	swait.ge [sflag:s21], $0x4000  }
0x4e: {  	[sflag:s21] =	ssyncset.done $0x0  }
0x4f: {  	[sflag:s21] =	ssyncadd.s32 $0xFFFFC000  }
0x50: {  	[spmem:s10] =	stream.linear.scatter [tilespmem:s20], [sflag:$0x1], $0x4000, $0x38;
	[tilespmem:$0x1D000] =	vst v63  }
0x51: {  	_ =	swait.ge [sflag:s21], $0x4000  }
0x52: {  	[sflag:s21] =	ssyncset.done $0x0  }
0x53: {  	[sflag:s21] =	ssyncadd.s32 $0xFFFFC000  }
0x54: {  	s25 =	simm.s32 $0x0;
	[bflag:$0x0] =	sbarrier.arrive $0xFFFF  }
0x55: {  	[tilespmem:s25], [sflag:$0x1] =	stream.linear.gather [hbm4b:s11+s25], $0x2800, $0x38;
	[tilespmem:$0x1D000] =	vst v63  }
0x56: {  	_ =	swait.ge [sflag:s21], $0x2800  }
0x57: {  	[sflag:s21] =	ssyncset.done $0x0  }
0x58: {  	[sflag:s21] =	ssyncadd.s32 $0xFFFFD800  }
0x59: {  	[tilespmem:s22], [sflag:$0x1] =	stream.linear.gather [hbm4b:s12+s25], $0x2800, $0x38;
	[tilespmem:$0x1D000] =	vst v63  }
0x5a: {  	_ =	swait.ge [sflag:s21], $0x2800  }
0x5b: {  	[sflag:s21] =	ssyncset.done $0x0  }
0x5c: {  	s26 =	simm.s32 $0x0;
	[sflag:s21] =	ssyncadd.s32 $0xFFFFD800  }
0x5d: {  	[tilespmem:s20], [sflag:$0x1] =	stream.indirect.gather [hbm4b:s4+s23], $0x80, s26, s23, $0xb8;
	[tilespmem:$0x1D000] =	vst v63  }
0x5e: {  	_ =	swait.ge [sflag:s21], $0x4000  }
0x5f: {  	[sflag:s21] =	ssyncset.done $0x0  }
0x60: {  	s28 =	simm.s32 $0x2800;
	[sflag:s21] =	ssyncadd.s32 $0xFFFFC000  }
0x61: {  	[spmem:s2] =	stream.indirect.scatter.add.f32 [tilespmem:s20], [sflag:$0x1], $0x80, s28, s23, $0xb8;
	[tilespmem:$0x1D000] =	vst v63  }
0x62: {  	_ =	swait.ge [sflag:s21], $0x4000  }
0x63: {  	s24 =	simm.s32 $0x200;
	s25 =	simm.s32 $0x400;
	[sflag:s21] =	ssyncset.done $0x0  }
.LBB2_4:
0x64: {  	s26 =	sshra.s32 s24, $0x2  }
0x65: {  	[sflag:s21] =	ssyncadd.s32 $0xFFFFC000;
	s24 =	smov.u32 s25;
	s28 =	sadd.s32 $0x200, s25  }
0x66: {  	[tilespmem:s20], [sflag:$0x1] =	stream.indirect.gather [hbm4b:s4+s23], $0x80, s26, s23, $0xb8;
	[tilespmem:$0x1D000] =	vst v63  }
0x67: {  	p2 =	sne.s32 s25, $0x9E00;
	_ =	swait.ge [sflag:s21], $0x4000  }
.Ltmp3:
0x68: {  	[sflag:s21] =	ssyncset.done $0x0;
	(pc) =	sbr.rel @p2 .LBB2_4-.Ltmp3, $4  }
0x69: {  	s25 =	sadd.s32 $0x2800, s26;
	[sflag:s21] =	ssyncadd.s32 $0xFFFFC000  }
0x6a: {  	[spmem:s2] =	stream.indirect.scatter.add.f32 [tilespmem:s20], [sflag:$0x1], $0x80, s25, s23, $0xb8;
	[tilespmem:$0x1D000] =	vst v63  }
0x6b: {  	_ =	swait.ge [sflag:s21], $0x4000  }
0x6c: {  	s25 =	smov.u32 s28;
	[sflag:s21] =	ssyncset.done $0x0  }
0x6d: {  	s24 =	sshra.s32 s24, $0x2;
	[sflag:s21] =	ssyncadd.s32 $0xFFFFC000  }
0x6e: {  	[tilespmem:s20], [sflag:$0x1] =	stream.indirect.gather [hbm4b:s4+s23], $0x80, s24, s23, $0xb8;
	[tilespmem:$0x1D000] =	vst v63  }
0x6f: {  	_ =	swait.ge [sflag:s21], $0x4000  }
0x70: {  	[sflag:s21] =	ssyncset.done $0x0  }
0x71: {  	s24 =	sadd.s32 $0x2800, s24;
	[sflag:s21] =	ssyncadd.s32 $0xFFFFC000  }
0x72: {  	[spmem:s2] =	stream.indirect.scatter.add.f32 [tilespmem:s20], [sflag:$0x1], $0x80, s24, s23, $0xb8;
	[tilespmem:$0x1D000] =	vst v63  }
.Ltmp4:
0x73: {  	_ =	swait.ge [sflag:s21], $0x4000;
	(pc) =	sbr.rel @!p0 .LBB2_6-.Ltmp4, $4  }
0x74: {  	[sflag:s21] =	ssyncset.done $0x0  }
0x75: {  	s28 =	stileid.u32;
	[sflag:s21] =	ssyncadd.s32 $0xFFFFC000  }
0x76: {  	s26 =	sshll.u32 s28, $0x6;
	[bflag:$0x0] =	sbarrier.arrive $0xFFFF  }
0x77: {  	s25 =	sshrl.u32 s19, $0x3;
	s24 =	sor.u32 $0x1C01, s26  }
0x78: {  	s24 =	sor.u32 $0x1C01, s26;
	s28 =	rddreg [dreg:$0x7]  }
0x79: {  	[hbm:s28], [sflag:s24] =	dma.local [spmem:s25], $0x500  }
0x7a: {  	_ =	swait.ge [sflag:s21], $0x500  }
0x7b: {  	[sflag:s21] =	ssyncset.done $0x0  }
0x7c: {  	s26 =	sshrl.u32 s13, $0x3;
	s28 =	rddreg [dreg:$0x9];
	[sflag:s21] =	ssyncadd.s32 $0xFFFFFB00  }
0x7d: {  	[hbm:s28], [sflag:s24] =	dma.local [spmem:s26], $0x500  }
0x7e: {  	_ =	swait.ge [sflag:s21], $0x500  }
0x7f: {  	[sflag:s21] =	ssyncset.done $0x0  }
0x80: {  	s26 =	sshrl.u32 s14, $0x3;
	s28 =	rddreg [dreg:$0xb];
	[sflag:s21] =	ssyncadd.s32 $0xFFFFFB00  }
0x81: {  	[hbm:s28], [sflag:s24] =	dma.local [spmem:s26], $0x500  }
0x82: {  	_ =	swait.ge [sflag:s21], $0x500  }
0x83: {  	[sflag:s21] =	ssyncset.done $0x0  }
0x84: {  	s26 =	sshrl.u32 s15, $0x3;
	[sflag:s21] =	ssyncadd.s32 $0xFFFFFB00  }
0x85: {  	[hbm:s29], [sflag:s24] =	dma.local [spmem:s26], $0x500  }
0x86: {  	_ =	swait.ge [sflag:s21], $0x500  }
0x87: {  	[sflag:s21] =	ssyncset.done $0x0  }
0x88: {  	s28 =	sshrl.u32 s16, $0x3;
	[sflag:s21] =	ssyncadd.s32 $0xFFFFFB00  }
0x89: {  	[hbm:s31], [sflag:s24] =	dma.local [spmem:s28], $0x500  }
.Ltmp5:
0x8a: {  	_ = 	snop;
	(pc) =	sbr.rel @p1 .LBB2_9-.Ltmp5, $4  }
.Ltmp6:
0x8b: {  	_ = 	snop;
	(pc) =	sbr.rel @!p1 .LBB2_8-.Ltmp6, $4  }
0x8c: {  	_ =	swait.ge [sflag:s21], $0x500  }
0x8d: {  	[sflag:s21] =	ssyncset.done $0x0  }
0x8e: {  	s25 =	smov.u32 s6;
	[sflag:s21] =	ssyncadd.s32 $0xFFFFFB00  }
0x8f: {  	_ = 	snop  }
.LBB2_6:
0x90: {  	s26 =	rddreg [dreg:$0x6]  }
0x91: {  	[hbm:s26], [sflag:s24] =	dma.local [spmem:s25], $0x500  }
0x92: {  	_ =	swait.ge [sflag:s21], $0x500  }
0x93: {  	[sflag:s21] =	ssyncset.done $0x0  }
0x94: {  	s26 =	sshrl.u32 s13, $0x3;
	s28 =	rddreg [dreg:$0x8];
	[sflag:s21] =	ssyncadd.s32 $0xFFFFFB00  }
0x95: {  	[hbm:s28], [sflag:s24] =	dma.local [spmem:s26], $0x500  }
0x96: {  	_ =	swait.ge [sflag:s21], $0x500  }
0x97: {  	[sflag:s21] =	ssyncset.done $0x0  }
0x98: {  	s26 =	sshrl.u32 s14, $0x3;
	s28 =	rddreg [dreg:$0xa];
	[sflag:s21] =	ssyncadd.s32 $0xFFFFFB00  }
0x99: {  	[hbm:s28], [sflag:s24] =	dma.local [spmem:s26], $0x500  }
0x9a: {  	_ =	swait.ge [sflag:s21], $0x500  }
0x9b: {  	[sflag:s21] =	ssyncset.done $0x0  }
0x9c: {  	s26 =	sshrl.u32 s15, $0x3;
	s28 =	rddreg [dreg:$0xc];
	[sflag:s21] =	ssyncadd.s32 $0xFFFFFB00  }
0x9d: {  	[hbm:s28], [sflag:s24] =	dma.local [spmem:s26], $0x500  }
0x9e: {  	_ =	swait.ge [sflag:s21], $0x500  }
0x9f: {  	[sflag:s21] =	ssyncset.done $0x0  }
0xa0: {  	s28 =	sshrl.u32 s16, $0x3;
	[sflag:s21] =	ssyncadd.s32 $0xFFFFFB00  }
0xa1: {  	[hbm:s30], [sflag:s24] =	dma.local [spmem:s28], $0x500  }
.Ltmp7:
0xa2: {  	_ = 	snop;
	(pc) =	sbr.rel @p1 .LBB2_9-.Ltmp7, $4  }
.Ltmp8:
0xa3: {  	_ = 	snop;
	(pc) =	sbr.rel @!p1 .LBB2_8-.Ltmp8, $4  }
0xa4: {  	_ =	swait.ge [sflag:s21], $0x500  }
0xa5: {  	[sflag:s21] =	ssyncset.done $0x0  }
0xa6: {  	s25 =	smov.u32 s5;
	[sflag:s21] =	ssyncadd.s32 $0xFFFFFB00  }
0xa7: {  	_ = 	snop  }
.LBB2_10:
0xa8: {  	_ =	sfence.sel $0x180000  }
0xa9: {  	[bflag:$0x0] =	sbarrier.arrive $0xFFFF  }
0xaa: {  	_ =	strace $0x9000004A  }
0xab: {  	s0 =	stileid.u32;
	[bflag:$0x2] =	sbarrier.arrive $0xFFFF  }
0xac: {  	p0 =	sne.s32 s0, $0x0;
	s0 =	rddreg [dreg:$0x2]  }
0xad: {  	s0 =	sadd.s32 @!p0 $0x100000, s0  }
0xae: {  	[sflag:s0] =	ssyncadd.tile.s32 @!p0 $0x1;
	_ =	shalt  }
.Lfunc_end2:
_tile_overlayer_lowered:
.L_overlay_start_2:
0xaf: {  	(tag) =	ssettag $0x2  }
0xb0: {  	s0 =	rddreg [dreg:$0x0];
	s2 =	stileid.u32  }
0xb1: {  	s1 =	rddreg [dreg:$0x1];
	p0 =	sne.s32 s2, $0x0  }
0xb2: {  	s3 =	rddreg [dreg:$0x2];
	[bflag:$0x3] =	sbarrier.arrive $0xFFFF;
	s2 =	simm.s32 @!p0 $0x1C01  }
0xb3: {  	[timem:s3], [sflag:s2] =	dma.local @!p0 [hbm:s0], s1  }
0xb4: {  	s0 =	simm.s32 @!p0 $0x1  }
0xb5: {  	_ =	swait.ge @!p0 [sflag:s0], s1  }
0xb6: {  	s1 =	ssub.s32 @!p0 $0x0, s1;
	[sflag:s0] =	ssyncset.done @!p0 $0x0  }
0xb7: {  	[sflag:s0] =	ssyncadd.s32 @!p0 s1  }
0xb8: {  	[bflag:$0x3] =	sbarrier.arrive $0xFFFF  }
0xb9: {  	_ =	shalt  }

// kernel: kernel.7.cloned.1.call-start
scs
__scs_entry_jumppad:
0x0: {  	(pc) =	sbr.rel $0x88, $3  }
0x1: {  	(tag) =	ssettag $0x0;
	lr =	simm.s32 $0x1  }
0x2: {  	[smem:$0x3F94] =	sst lr;
	_ =	strace $0xD0000000  }
0x3: {  	_ = 	snop  }
0x4: {  	_ = 	snop  }
0x5: {  	_ = 	snop  }
0x6: {  	_ = 	snop  }
0x7: {  	_ = 	snop  }
__scs_overlays_trampoline_lowered:
0x8: {  	[smem:$0x3FA3] =	sst s0  }
0x9: {  	[smem:$0x3FA4] =	sst s1  }
0xa: {  	[smem:$0x3FA5] =	sst s2  }
0xb: {  	[smem:$0x3FA6] =	sst s3  }
0xc: {  	[smem:$0x3FA7] =	sst s4  }
0xd: {  	[smem:$0x3FA8] =	sst s5  }
0xe: {  	[smem:$0x3FA9] =	sst s6  }
0xf: {  	[smem:$0x3FAA] =	sst s7  }
0x10: {  	[smem:$0x3FAB] =	sst s8  }
0x11: {  	[smem:$0x3FAC] =	sst s9;
	s0 =	simm.s32 @!p0 $0x0  }
0x12: {  	s1 =	sld [smem:$0x3F92];
	s0 =	simm.s32 @p0 $0x1  }
0x13: {  	[smem:$0x3FAD] =	sst s0;
	s0 =	simm.s32 @!p1 $0x0  }
0x14: {  	s2 =	sld [smem:$0x3F91];
	s0 =	simm.s32 @p1 $0x1  }
0x15: {  	[smem:$0x3FAE] =	sst s0;
	s0 =	simm.s32 @!p2 $0x0  }
0x16: {  	s3 =	sld [smem:$0x3FDB];
	s0 =	simm.s32 @p2 $0x1  }
0x17: {  	s4 =	simm.s32 $0x1BF5;
	[smem:$0x3FB0] =	sst s0  }
0x18: {  	s0 =	sld [smem:$0x3F93];
	_ =	swait.ge [sflag:s4], $0x0  }
0x19: {  	s7 =	sld [smem:$0x3F94]  }
0x1a: {  	s8 =	sadd.s32 $0xFFFFE003, lr  }
0x1b: {  	s9 =	sadd.s32 $0xFFFFFEF7, lr;
	s5 =	simm.s32 $0xFFFFFFFF;
	p2 =	slt.u32 s8, $0xFFFFF086  }
0x1c: {  	p1 =	slt.u32 s9, $0xF7A;
	s5 =	simm.s32 @!p2 $0x0  }
0x1d: {  	s5 =	simm.s32 @p1 $0x1;
	p0 =	seq.s32 s7, s2  }
0x1e: {  	s7 =	smul.u32 @!p0 $0xF7A, s2;
	p2 =	seq.s32 @!p0 s5, $0x0  }
0x1f: {  	s9 =	smul.u32 $0xF7A, s1;
	s8 =	simm.s32 @!p0 $0x1BF5;
	p2 =	por !p2, p0  }
0x20: {  	[sflag:s8] =	ssyncset.s32 @!p0 $0xFFFFF086;
	s6 =	sadd.s32 @!p0 s3, s7;
	s7 =	simm.s32 @!p0 $0x108  }
0x21: {  	s3 =	sadd.s32 s3, s9;
	s6 =	sadd.s32 @!p0 $0x88, s6;
	s7 =	simm.s32 @p2 $0x1082  }
0x22: {  	[simem:s7], [sflag:s8] =	dma.local @!p0 [hbm:s6], $0xF7A  }
0x23: {  	s9 =	sor.u32 $0xD0000000, s2;
	s6 =	simm.s32 $0x108;
	_ =	swait.ge @!p0 [sflag:s8], $0x0  }
0x24: {  	s3 =	sadd.s32 $0x88, s3;
	s6 =	simm.s32 @!p1 $0x1082;
	[sflag:s4] =	ssyncset.s32 $0xFFFFF086  }
0x25: {  	[simem:s6], [sflag:s4] =	dma.local [hbm:s3], $0xF7A  }
0x26: {  	[smem:$0x3F94] =	sst s1;
	(tag) =	ssettag s2;
	_ =	strace s9  }
0x27: {  	s1 =	sld [smem:$0x3FA4]  }
0x28: {  	s2 =	sld [smem:$0x3FA5]  }
0x29: {  	s4 =	sld [smem:$0x3FA7]  }
0x2a: {  	p0 =	seq.s32 s5, $0x0;
	s5 =	sld [smem:$0x3FA8]  }
0x2b: {  	s6 =	sld [smem:$0x3FA9]  }
0x2c: {  	s7 =	sld [smem:$0x3FAA]  }
0x2d: {  	s3 =	simm.s32 $0x108;
	s8 =	sld [smem:$0x3FAB]  }
0x2e: {  	s3 =	simm.s32 @!p0 $0x1082;
	s9 =	sld [smem:$0x3FAC]  }
0x2f: {  	lr =	sadd.s32 s0, s3;
	s0 =	sld [smem:$0x3FA3]  }
0x30: {  	s3 =	sld [smem:$0x3FA6]  }
0x31: {  	[smem:$0x3FAF] =	sst s10  }
0x32: {  	s10 =	sld [smem:$0x3FAD];
	_ =	sdelay $0x3  }
0x33: {  	p0 =	seq.s32 s10, $0x1;
	s10 =	sld [smem:$0x3FAF];
	_ =	sdelay $0x3  }
0x34: {  	[smem:$0x3FAF] =	sst s10  }
0x35: {  	s10 =	sld [smem:$0x3FAE];
	_ =	sdelay $0x3  }
0x36: {  	p1 =	seq.s32 s10, $0x1;
	s10 =	sld [smem:$0x3FAF];
	_ =	sdelay $0x3  }
0x37: {  	[smem:$0x3FAF] =	sst s10  }
0x38: {  	s10 =	sld [smem:$0x3FB0]  }
0x39: {  	_ = 	snop;
	(pc) =	sbr.ind lr, $3  }
0x3a: {  	_ = 	snop  }
0x3b: {  	_ = 	snop  }
0x3c: {  	p2 =	seq.s32 s10, $0x1;
	s10 =	sld [smem:$0x3FAF]  }
0x3d: {  	_ =	shalt  }
0x3e: {  	_ =	shalt  }
0x3f: {  	_ =	shalt  }
0x40: {  	_ =	shalt  }
0x41: {  	_ =	shalt  }
0x42: {  	_ =	shalt  }
0x43: {  	_ =	shalt  }
0x44: {  	_ =	shalt  }
0x45: {  	_ =	shalt  }
0x46: {  	_ =	shalt  }
0x47: {  	_ =	shalt  }
0x48: {  	_ =	shalt  }
0x49: {  	_ =	shalt  }
0x4a: {  	_ =	shalt  }
0x4b: {  	_ =	shalt  }
0x4c: {  	_ =	shalt  }
0x4d: {  	_ =	shalt  }
0x4e: {  	_ =	shalt  }
0x4f: {  	_ =	shalt  }
0x50: {  	_ =	shalt  }
0x51: {  	_ =	shalt  }
0x52: {  	_ =	shalt  }
0x53: {  	_ =	shalt  }
0x54: {  	_ =	shalt  }
0x55: {  	_ =	shalt  }
0x56: {  	_ =	shalt  }
0x57: {  	_ =	shalt  }
0x58: {  	_ =	shalt  }
0x59: {  	_ =	shalt  }
0x5a: {  	_ =	shalt  }
0x5b: {  	_ =	shalt  }
0x5c: {  	_ =	shalt  }
0x5d: {  	_ =	shalt  }
0x5e: {  	_ =	shalt  }
0x5f: {  	_ =	shalt  }
0x60: {  	_ =	shalt  }
0x61: {  	_ =	shalt  }
0x62: {  	_ =	shalt  }
0x63: {  	_ =	shalt  }
0x64: {  	_ =	shalt  }
0x65: {  	_ =	shalt  }
0x66: {  	_ =	shalt  }
0x67: {  	_ =	shalt  }
0x68: {  	_ =	shalt  }
0x69: {  	_ =	shalt  }
0x6a: {  	_ =	shalt  }
0x6b: {  	_ =	shalt  }
0x6c: {  	_ =	shalt  }
0x6d: {  	_ =	shalt  }
0x6e: {  	_ =	shalt  }
0x6f: {  	_ =	shalt  }
0x70: {  	_ =	shalt  }
0x71: {  	_ =	shalt  }
0x72: {  	_ =	shalt  }
0x73: {  	_ =	shalt  }
0x74: {  	_ =	shalt  }
0x75: {  	_ =	shalt  }
0x76: {  	_ =	shalt  }
0x77: {  	_ =	shalt  }
0x78: {  	_ =	shalt  }
0x79: {  	_ =	shalt  }
0x7a: {  	_ =	shalt  }
0x7b: {  	_ =	shalt  }
0x7c: {  	_ =	shalt  }
0x7d: {  	_ =	shalt  }
0x7e: {  	_ =	shalt  }
0x7f: {  	_ =	shalt  }
0x80: {  	_ =	shalt  }
0x81: {  	_ =	shalt  }
0x82: {  	_ =	shalt  }
0x83: {  	_ =	shalt  }
0x84: {  	_ =	shalt  }
0x85: {  	_ =	shalt  }
0x86: {  	_ =	shalt  }
0x87: {  	_ =	shalt  }
.Lfunc_end0:
.L_simem_size_0:
called_computation_lowered:
.L_overlay_start_0:
0x88: {  	s2 =	sld [smem:$0x3FD9]  }
0x89: {  	s3 =	sld [smem:$0x3FFE];
	_ =	sdelay $0x1  }
0x8a: {  	s1 =	srdreg.scid  }
0x8b: {  	s0 =	sand.u32 $0x1, s1  }
0x8c: {  	s16 =	sshll.u32 s0, $0xA;
	s2 =	sadd.s32 s3, s2  }
0x8d: {  	s2 =	sadd.s32 s2, s16  }
0x8e: {  	[smem:$0x3FBB] =	sst s2  }
0x8f: {  	_ = 	snop  }
0x90: {  	(tm) =	ssettm $0x1  }
0x91: {  	s17 =	sld [smem:$0x3FFB];
	_ =	sdelay $0x3  }
0x92: {  	_ =	strace s17  }
0x93: {  	s2 =	sld [smem:$0x3FFC];
	_ =	sdelay $0x3  }
0x94: {  	_ =	strace s2  }
0x95: {  	s2 =	sld [smem:$0x3FFD];
	_ =	sdelay $0x3  }
0x96: {  	_ =	strace s2  }
0x97: {  	_ =	strace $0x8FFFFFFF  }
0x98: {  	s18 =	sld [smem:$0x3FDB];
	_ =	sdelay $0x1  }
0x99: {  	s19 =	simm.s32 $_scs_section_size  }
0x9a: {  	s4 =	simm.s32 $_size__tile_overlayer_lowered;
	s5 =	simm.s32 $_tile_overlayer_lowered  }
0x9b: {  	s22 =	simm.s32 $0x1BFF;
	s21 =	sshll.u32 s5, $0x1;
	s2 =	sadd.s32 s19, s18  }
0x9c: {  	s6 =	simm.s32 $0x0;
	s20 =	sshll.u32 s4, $0x1;
	s4 =	sadd.s32 s21, s2  }
0x9d: {  	[timem:s6], [sflag:s22] =	dma.local [hbm:s4], s20  }
0x9e: {  	_ =	swait.ge [sflag:s22], s20  }
0x9f: {  	s3 =	ssub.s32 $0x0, s20;
	[sflag:s22] =	ssyncset.done $0x0  }
0xa0: {  	[sflag:s22] =	ssyncadd.s32 s3;
	_ =	sdelay $0x1  }
0xa1: {  	s23 =	simm.s32 $0x1B8B  }
0xa2: {  	_ =	swait.ge [sflag:s23], $0x1  }
0xa3: {  	[sflag:s23] =	ssyncset.done $0x0  }
0xa4: {  	s25 =	simm.s32 $0x1B8E;
	s24 =	sld [smem:$0x3FFE];
	[sflag:s23] =	ssyncadd.s32 $0xFFFFFFFF  }
0xa5: {  	s26 =	simm.s32 $execute0_lowered;
	[smem:$0x3FD2] =	sst s25  }
0xa6: {  	s4 =	sshll.u32 s26, $0x1;
	_ =	strace $0x80000046;
	[dreg:$0x1] =	wrdreg $0xFFFFFFFF  }
0xa7: {  	s28 =	simm.s32 $_size_execute0_lowered;
	s2 =	sadd.s32 s2, s4;
	[dreg:$0x0] =	wrdreg $0x0  }
0xa8: {  	s4 =	sshll.u32 s28, $0x1;
	[dreg:$0x2] =	wrdreg s2  }
0xa9: {  	[dreg:$0x3] =	wrdreg s4  }
0xaa: {  	[dreg:$0x4] =	wrdreg $0xC0  }
0xab: {  	_ =	task [dreg:s6], $0x5FFFF  }
0xac: {  	[dreg:$0x1] =	wrdreg $0xFFFFFFFF  }
0xad: {  	[dreg:$0x0] =	wrdreg $0x60  }
0xae: {  	[dreg:$0x2] =	wrdreg s24  }
0xaf: {  	[dreg:$0x3] =	wrdreg $0x98000  }
0xb0: {  	[dreg:$0x4] =	wrdreg $0x9  }
0xb1: {  	_ =	task.clear_ibuf [dreg:s6], $0x5FFFF;
	_ =	strace $0x90000046  }
0xb2: {  	s29 =	simm.s32 $0x9;
	_ =	strace $0x80000048  }
0xb3: {  	_ =	swait.ge [sflag:s29], $0x1  }
0xb4: {  	[sflag:s29] =	ssyncadd.s32 $0xFFFFFFFF  }
0xb5: {  	_ =	strace $0x90000048  }
0xb6: {  	_ =	sfence  }
0xb7: {  	s30 =	sld [smem:$0x0];
	_ =	sdelay $0x2  }
0xb8: {  	s31 =	sshll.u32 s1, $0xD;
	s1 =	sshrl.u32 s1, $0x2  }
0xb9: {  	s3 =	sand.u32 $0x4000, s31;
	s1 =	sadd.s32 s1, s30  }
0xba: {  	s0 =	sor.u32 s3, s0;
	s1 =	sshll.u32 s1, $0x11  }
0xbb: {  	s0 =	sor.u32 s1, s0  }
0xbc: {  	s0 =	sadd.s32 $0x8F2B, s0  }
0xbd: {  	[sflag:s0] =	ssyncadd.remote.s32 $0x1  }
0xbe: {  	_ =	sfence.sel $0xFFFF  }
0xbf: {  	[dreg:$0x0] =	wrdreg $0xFFFFFFFF;
	(pc) =	sbr.abs _section_cstart, $3  }
0xc0: {  	[dreg:$0x1] =	wrdreg $0xFFFFFFFF  }
0xc1: {  	_ =	task.clear_ibuf [dreg:s6], $0x2FFFF;
	_ =	strace $0x9FFFFFFF  }
0xc2: {  	(tm) =	ssettm $0x7FFFFFFF  }
0xc3: {  	_ =	shalt  }
tec
execute0_lowered:
.L_overlay_start_1:
0x0: {  	(tag) =	ssettag $0x1  }
0x1: {  	s0 =	srdreg.scid;
	s26 =	stileid.u32  }
0x2: {  	s1 =	rddreg [dreg:$0x0];
	s6 =	smul.u32 $0x5A000, s26  }
0x3: {  	s2 =	rddreg [dreg:$0x1];
	s0 =	sand.u32 $0x1, s0;
	s17 =	smul.u32 $0x16800, s26  }
0x4: {  	p1 =	seq.s32 s26, $0xF;
	s3 =	sshll.u32 s0, $0x4;
	s7 =	ssub.s32 $0x2, s0  }
0x5: {  	p0 =	seq.s32 s0, $0x1;
	s4 =	sor.u32 s26, s3;
	s3 =	simm.s32 $0x0  }
0x6: {  	s8 =	sshrl.u32 s6, $0x2;
	s6 =	sadd.s32 $0x6F600, s1;
	s23 =	sshrl.u32 s7, $0x1  }
0x7: {  	s13 =	sadd.s32 $0x2D00, s17;
	s14 =	sadd.s32 $0x5A00, s17;
	s15 =	sadd.s32 $0x8700, s17  }
0x8: {  	s16 =	sadd.s32 $0xB400, s17;
	s19 =	sadd.s32 $0xE100, s17;
	s24 =	sadd.s32 $0x10E00, s17  }
0x9: {  	s5 =	smul.u32 $0x500, s4;
	[smem:$0x7FF] =	sst s3;
	s4 =	sadd.s32 $0x3600, s1  }
0xa: {  	s10 =	sadd.s32 s8, s2;
	s0 =	sshrl.u32 s13, $0x3;
	s13 =	sadd.s32 s13, s2  }
0xb: {  	s18 =	sshrl.u32 s14, $0x3;
	s14 =	sadd.s32 s14, s2;
	s20 =	sshrl.u32 s15, $0x3  }
0xc: {  	s15 =	sadd.s32 s15, s2;
	s21 =	sshrl.u32 s16, $0x3;
	s16 =	sadd.s32 s16, s2  }
0xd: {  	s22 =	sshrl.u32 s19, $0x3;
	s25 =	sshrl.u32 s24, $0x3;
	_ =	strace $0x80000047  }
0xe: {  	s8 =	sadd.s32 $0x9000, s10;
	s9 =	sadd.s32 $0xD800, s10;
	[dreg:$0x3] =	wrdreg s22  }
0xf: {  	[dreg:$0x4] =	wrdreg s25;
	s22 =	sadd.s32 s24, s2;
	s24 =	sshrl.u32 s17, $0x3  }
0x10: {  	s29 =	sadd.s32 s6, s20;
	s31 =	sadd.s32 s6, s21;
	s12 =	sadd.s32 s5, s1  }
0x11: {  	s5 =	sadd.s32 $0x43600, s1;
	s1 =	ssub.s32 s7, s23;
	s7 =	sadd.s32 $0x4800, s10  }
0x12: {  	s23 =	sadd.s32 s19, s2;
	s19 =	sadd.s32 s17, s2;
	s17 =	sadd.s32 $0x13B00, s17  }
0x13: {  	s10 =	sadd.s32 $0x12000, s10;
	s11 =	sadd.s32 $0x2F600, s12;
	s25 =	sshrl.u32 s17, $0x3  }
0x14: {  	s12 =	sadd.s32 $0x39600, s12;
	s28 =	sadd.s32 s5, s24;
	[dreg:$0x5] =	wrdreg s25  }
0x15: {  	s24 =	sadd.s32 s6, s24;
	s30 =	sadd.s32 s5, s21;
	[dreg:$0x6] =	wrdreg s28  }
0x16: {  	s1 =	smax.u32 s1, $0x1;
	[dreg:$0x7] =	wrdreg s24;
	s28 =	sadd.s32 s5, s0  }
0x17: {  	s25 =	sadd.s32 s17, s2;
	s0 =	sadd.s32 s6, s0;
	[dreg:$0x8] =	wrdreg s28  }
.Ltmp0:
0x18: {  	s17 =	sadd.s32 s5, s18;
	[dreg:$0x9] =	wrdreg s0;
	(pc) =	sbr.rel .LBB2_1-.Ltmp0, $4  }
0x19: {  	s21 =	simm.s32 $0x1;
	s24 =	sadd.s32 s6, s18;
	[dreg:$0xa] =	wrdreg s17  }
0x1a: {  	[dreg:$0xb] =	wrdreg s24;
	s28 =	sadd.s32 s5, s20;
	s0 =	sshrl.u32 s23, $0x3  }
0x1b: {  	s17 =	sshrl.u32 s22, $0x3;
	s18 =	sshrl.u32 s25, $0x3;
	s20 =	simm.s32 $0x5000  }
0x1c: {  	v0 =	vimm.f32 $0.0e+00;
	s22 =	simm.s32 $0x2800;
	s23 =	simm.s32 $0x80;
	[dreg:$0xc] =	wrdreg s28  }
.LBB2_8:
0x1d: {  	s26 =	rddreg [dreg:$0x3]  }
0x1e: {  	s26 =	sadd.s32 s25, s26  }
0x1f: {  	[hbm:s26], [sflag:s24] =	dma.local [spmem:s0], $0x5A0  }
0x20: {  	_ =	swait.ge [sflag:s21], $0x5A0  }
0x21: {  	[sflag:s21] =	ssyncset.done $0x0;
	s28 =	rddreg [dreg:$0x4]  }
0x22: {  	s26 =	sadd.s32 s25, s28;
	[sflag:s21] =	ssyncadd.s32 $0xFFFFFA60  }
0x23: {  	[hbm:s26], [sflag:s24] =	dma.local [spmem:s17], $0x5A0  }
0x24: {  	_ =	swait.ge [sflag:s21], $0x5A0  }
0x25: {  	[sflag:s21] =	ssyncset.done $0x0;
	s28 =	rddreg [dreg:$0x5]  }
0x26: {  	s28 =	sadd.s32 s25, s28;
	[sflag:s21] =	ssyncadd.s32 $0xFFFFFA60  }
0x27: {  	[hbm:s28], [sflag:s24] =	dma.local [spmem:s18], $0x5A0  }
0x28: {  	_ =	swait.ge [sflag:s21], $0x5A0  }
0x29: {  	[sflag:s21] =	ssyncset.done $0x0  }
0x2a: {  	[sflag:s21] =	ssyncadd.s32 $0xFFFFFA60  }
.LBB2_9:
0x2b: {  	s3 =	sadd.s32 $0x1, s3  }
0x2c: {  	p2 =	sne.s32 s3, s1  }
.Ltmp1:
0x2d: {  	_ = 	snop;
	(pc) =	sbr.rel @!p2 .LBB2_10-.Ltmp1, $1  }
0x2e: {  	_ =	sdelay $0x3  }
.LBB2_1:
0x2f: {  	s24 =	simm.s32 $0x0;
	s25 =	simm.s32 $0x240  }
.LBB2_2:
0x30: {  	p2 =	sne.s32 s25, $0x11DC0;
	[tilespmem:s24+$0x5080] =	vst v0  }
0x31: {  	[tilespmem:s24+$0x5000] =	vst v0  }
0x32: {  	[tilespmem:s24+$0x5010] =	vst v0  }
0x33: {  	[tilespmem:s24+$0x5020] =	vst v0  }
.Ltmp2:
0x34: {  	[tilespmem:s24+$0x5030] =	vst v0;
	(pc) =	sbr.rel @p2 .LBB2_2-.Ltmp2, $4  }
0x35: {  	[tilespmem:s24+$0x5040] =	vst v0  }
0x36: {  	[tilespmem:s24+$0x5050] =	vst v0  }
0x37: {  	[tilespmem:s24+$0x5060] =	vst v0  }
0x38: {  	[tilespmem:s24+$0x5070] =	vst v0;
	s24 =	sshra.s32 s25, $0x2;
	s25 =	sadd.s32 $0x240, s25  }
0x39: {  	[tilespmem:s24+$0x5080] =	vst v0  }
0x3a: {  	[tilespmem:s24+$0x5000] =	vst v0  }
0x3b: {  	[tilespmem:s24+$0x5010] =	vst v0  }
0x3c: {  	[tilespmem:s24+$0x5020] =	vst v0  }
0x3d: {  	[tilespmem:s24+$0x5030] =	vst v0  }
0x3e: {  	[tilespmem:s24+$0x5040] =	vst v0  }
0x3f: {  	[tilespmem:s24+$0x5050] =	vst v0  }
0x40: {  	[tilespmem:s24+$0x5060] =	vst v0  }
0x41: {  	[tilespmem:s24+$0x5070] =	vst v0  }
0x42: {  	[spmem:s19] =	stream.linear.scatter [tilespmem:s20], [sflag:$0x1], $0x4800, $0x38;
	v63 =	vld [tilespmem:$0x0]  }
0x43: {  	_ =	swait.ge [sflag:s21], $0x4800  }
0x44: {  	[sflag:s21] =	ssyncset.done $0x0  }
0x45: {  	[sflag:s21] =	ssyncadd.s32 $0xFFFFB800  }
0x46: {  	[spmem:s7] =	stream.linear.scatter [tilespmem:s20], [sflag:$0x1], $0x4800, $0x38;
	v63 =	vld [tilespmem:$0x0]  }
0x47: {  	_ =	swait.ge [sflag:s21], $0x4800  }
0x48: {  	[sflag:s21] =	ssyncset.done $0x0  }
0x49: {  	[sflag:s21] =	ssyncadd.s32 $0xFFFFB800  }
0x4a: {  	[spmem:s8] =	stream.linear.scatter [tilespmem:s20], [sflag:$0x1], $0x4800, $0x38;
	v63 =	vld [tilespmem:$0x0]  }
0x4b: {  	_ =	swait.ge [sflag:s21], $0x4800  }
0x4c: {  	[sflag:s21] =	ssyncset.done $0x0  }
0x4d: {  	[sflag:s21] =	ssyncadd.s32 $0xFFFFB800  }
0x4e: {  	[spmem:s9] =	stream.linear.scatter [tilespmem:s20], [sflag:$0x1], $0x4800, $0x38;
	v63 =	vld [tilespmem:$0x0]  }
0x4f: {  	_ =	swait.ge [sflag:s21], $0x4800  }
0x50: {  	[sflag:s21] =	ssyncset.done $0x0  }
0x51: {  	[sflag:s21] =	ssyncadd.s32 $0xFFFFB800  }
0x52: {  	[spmem:s10] =	stream.linear.scatter [tilespmem:s20], [sflag:$0x1], $0x4800, $0x38;
	v63 =	vld [tilespmem:$0x0]  }
0x53: {  	_ =	swait.ge [sflag:s21], $0x4800  }
0x54: {  	[sflag:s21] =	ssyncset.done $0x0  }
0x55: {  	[sflag:s21] =	ssyncadd.s32 $0xFFFFB800  }
0x56: {  	s25 =	simm.s32 $0x0;
	[bflag:$0x0] =	sbarrier.arrive $0xFFFF  }
0x57: {  	[tilespmem:s25], [sflag:$0x1] =	stream.linear.gather [hbm4b:s11+s25], $0x2800, $0x38;
	v63 =	vld [tilespmem:$0x0]  }
0x58: {  	_ =	swait.ge [sflag:s21], $0x2800  }
0x59: {  	[sflag:s21] =	ssyncset.done $0x0  }
0x5a: {  	[sflag:s21] =	ssyncadd.s32 $0xFFFFD800  }
0x5b: {  	[tilespmem:s22], [sflag:$0x1] =	stream.linear.gather [hbm4b:s12+s25], $0x2800, $0x38;
	v63 =	vld [tilespmem:$0x0]  }
0x5c: {  	_ =	swait.ge [sflag:s21], $0x2800  }
0x5d: {  	[sflag:s21] =	ssyncset.done $0x0  }
0x5e: {  	s26 =	simm.s32 $0x0;
	[sflag:s21] =	ssyncadd.s32 $0xFFFFD800  }
0x5f: {  	[tilespmem:s20], [sflag:$0x1] =	stream.indirect.gather [hbm4b:s4+s23], $0x90, s26, s23, $0xb8;
	v63 =	vld [tilespmem:$0x0]  }
0x60: {  	_ =	swait.ge [sflag:s21], $0x4800  }
0x61: {  	[sflag:s21] =	ssyncset.done $0x0  }
0x62: {  	s28 =	simm.s32 $0x2800;
	[sflag:s21] =	ssyncadd.s32 $0xFFFFB800  }
0x63: {  	[spmem:s2] =	stream.indirect.scatter.add.f32 [tilespmem:s20], [sflag:$0x1], $0x90, s28, s23, $0xb8;
	v63 =	vld [tilespmem:$0x0]  }
0x64: {  	_ =	swait.ge [sflag:s21], $0x4800  }
0x65: {  	s24 =	simm.s32 $0x200;
	s25 =	simm.s32 $0x400;
	[sflag:s21] =	ssyncset.done $0x0  }
.LBB2_4:
0x66: {  	s26 =	sshra.s32 s24, $0x2  }
0x67: {  	[sflag:s21] =	ssyncadd.s32 $0xFFFFB800;
	s24 =	smov.u32 s25;
	s28 =	sadd.s32 $0x200, s25  }
0x68: {  	[tilespmem:s20], [sflag:$0x1] =	stream.indirect.gather [hbm4b:s4+s23], $0x90, s26, s23, $0xb8;
	v63 =	vld [tilespmem:$0x0]  }
0x69: {  	p2 =	sne.s32 s25, $0x9E00;
	_ =	swait.ge [sflag:s21], $0x4800  }
.Ltmp3:
0x6a: {  	[sflag:s21] =	ssyncset.done $0x0;
	(pc) =	sbr.rel @p2 .LBB2_4-.Ltmp3, $4  }
0x6b: {  	s25 =	sadd.s32 $0x2800, s26;
	[sflag:s21] =	ssyncadd.s32 $0xFFFFB800  }
0x6c: {  	[spmem:s2] =	stream.indirect.scatter.add.f32 [tilespmem:s20], [sflag:$0x1], $0x90, s25, s23, $0xb8;
	v63 =	vld [tilespmem:$0x0]  }
0x6d: {  	_ =	swait.ge [sflag:s21], $0x4800  }
0x6e: {  	s25 =	smov.u32 s28;
	[sflag:s21] =	ssyncset.done $0x0  }
0x6f: {  	s24 =	sshra.s32 s24, $0x2;
	[sflag:s21] =	ssyncadd.s32 $0xFFFFB800  }
0x70: {  	[tilespmem:s20], [sflag:$0x1] =	stream.indirect.gather [hbm4b:s4+s23], $0x90, s24, s23, $0xb8;
	v63 =	vld [tilespmem:$0x0]  }
0x71: {  	_ =	swait.ge [sflag:s21], $0x4800  }
0x72: {  	[sflag:s21] =	ssyncset.done $0x0  }
0x73: {  	s24 =	sadd.s32 $0x2800, s24;
	[sflag:s21] =	ssyncadd.s32 $0xFFFFB800  }
0x74: {  	[spmem:s2] =	stream.indirect.scatter.add.f32 [tilespmem:s20], [sflag:$0x1], $0x90, s24, s23, $0xb8;
	v63 =	vld [tilespmem:$0x0]  }
.Ltmp4:
0x75: {  	_ =	swait.ge [sflag:s21], $0x4800;
	(pc) =	sbr.rel @!p0 .LBB2_6-.Ltmp4, $4  }
0x76: {  	[sflag:s21] =	ssyncset.done $0x0  }
0x77: {  	s28 =	stileid.u32;
	[sflag:s21] =	ssyncadd.s32 $0xFFFFB800  }
0x78: {  	s26 =	sshll.u32 s28, $0x6;
	[bflag:$0x0] =	sbarrier.arrive $0xFFFF  }
0x79: {  	s25 =	sshrl.u32 s19, $0x3;
	s24 =	sor.u32 $0x1C01, s26  }
0x7a: {  	s24 =	sor.u32 $0x1C01, s26;
	s28 =	rddreg [dreg:$0x7]  }
0x7b: {  	[hbm:s28], [sflag:s24] =	dma.local [spmem:s25], $0x5A0  }
0x7c: {  	_ =	swait.ge [sflag:s21], $0x5A0  }
0x7d: {  	[sflag:s21] =	ssyncset.done $0x0  }
0x7e: {  	s26 =	sshrl.u32 s13, $0x3;
	s28 =	rddreg [dreg:$0x9];
	[sflag:s21] =	ssyncadd.s32 $0xFFFFFA60  }
0x7f: {  	[hbm:s28], [sflag:s24] =	dma.local [spmem:s26], $0x5A0  }
0x80: {  	_ =	swait.ge [sflag:s21], $0x5A0  }
0x81: {  	[sflag:s21] =	ssyncset.done $0x0  }
0x82: {  	s26 =	sshrl.u32 s14, $0x3;
	s28 =	rddreg [dreg:$0xb];
	[sflag:s21] =	ssyncadd.s32 $0xFFFFFA60  }
0x83: {  	[hbm:s28], [sflag:s24] =	dma.local [spmem:s26], $0x5A0  }
0x84: {  	_ =	swait.ge [sflag:s21], $0x5A0  }
0x85: {  	[sflag:s21] =	ssyncset.done $0x0  }
0x86: {  	s26 =	sshrl.u32 s15, $0x3;
	[sflag:s21] =	ssyncadd.s32 $0xFFFFFA60  }
0x87: {  	[hbm:s29], [sflag:s24] =	dma.local [spmem:s26], $0x5A0  }
0x88: {  	_ =	swait.ge [sflag:s21], $0x5A0  }
0x89: {  	[sflag:s21] =	ssyncset.done $0x0  }
0x8a: {  	s28 =	sshrl.u32 s16, $0x3;
	[sflag:s21] =	ssyncadd.s32 $0xFFFFFA60  }
0x8b: {  	[hbm:s31], [sflag:s24] =	dma.local [spmem:s28], $0x5A0  }
.Ltmp5:
0x8c: {  	_ = 	snop;
	(pc) =	sbr.rel @p1 .LBB2_9-.Ltmp5, $4  }
.Ltmp6:
0x8d: {  	_ = 	snop;
	(pc) =	sbr.rel @!p1 .LBB2_8-.Ltmp6, $4  }
0x8e: {  	_ =	swait.ge [sflag:s21], $0x5A0  }
0x8f: {  	[sflag:s21] =	ssyncset.done $0x0  }
0x90: {  	s25 =	smov.u32 s6;
	[sflag:s21] =	ssyncadd.s32 $0xFFFFFA60  }
0x91: {  	_ = 	snop  }
.LBB2_6:
0x92: {  	s26 =	rddreg [dreg:$0x6]  }
0x93: {  	[hbm:s26], [sflag:s24] =	dma.local [spmem:s25], $0x5A0  }
0x94: {  	_ =	swait.ge [sflag:s21], $0x5A0  }
0x95: {  	[sflag:s21] =	ssyncset.done $0x0  }
0x96: {  	s26 =	sshrl.u32 s13, $0x3;
	s28 =	rddreg [dreg:$0x8];
	[sflag:s21] =	ssyncadd.s32 $0xFFFFFA60  }
0x97: {  	[hbm:s28], [sflag:s24] =	dma.local [spmem:s26], $0x5A0  }
0x98: {  	_ =	swait.ge [sflag:s21], $0x5A0  }
0x99: {  	[sflag:s21] =	ssyncset.done $0x0  }
0x9a: {  	s26 =	sshrl.u32 s14, $0x3;
	s28 =	rddreg [dreg:$0xa];
	[sflag:s21] =	ssyncadd.s32 $0xFFFFFA60  }
0x9b: {  	[hbm:s28], [sflag:s24] =	dma.local [spmem:s26], $0x5A0  }
0x9c: {  	_ =	swait.ge [sflag:s21], $0x5A0  }
0x9d: {  	[sflag:s21] =	ssyncset.done $0x0  }
0x9e: {  	s26 =	sshrl.u32 s15, $0x3;
	s28 =	rddreg [dreg:$0xc];
	[sflag:s21] =	ssyncadd.s32 $0xFFFFFA60  }
0x9f: {  	[hbm:s28], [sflag:s24] =	dma.local [spmem:s26], $0x5A0  }
0xa0: {  	_ =	swait.ge [sflag:s21], $0x5A0  }
0xa1: {  	[sflag:s21] =	ssyncset.done $0x0  }
0xa2: {  	s28 =	sshrl.u32 s16, $0x3;
	[sflag:s21] =	ssyncadd.s32 $0xFFFFFA60  }
0xa3: {  	[hbm:s30], [sflag:s24] =	dma.local [spmem:s28], $0x5A0  }
.Ltmp7:
0xa4: {  	_ = 	snop;
	(pc) =	sbr.rel @p1 .LBB2_9-.Ltmp7, $4  }
.Ltmp8:
0xa5: {  	_ = 	snop;
	(pc) =	sbr.rel @!p1 .LBB2_8-.Ltmp8, $4  }
0xa6: {  	_ =	swait.ge [sflag:s21], $0x5A0  }
0xa7: {  	[sflag:s21] =	ssyncset.done $0x0  }
0xa8: {  	s25 =	smov.u32 s5;
	[sflag:s21] =	ssyncadd.s32 $0xFFFFFA60  }
0xa9: {  	_ = 	snop  }
.LBB2_10:
0xaa: {  	_ =	sfence.sel $0x180000  }
0xab: {  	[bflag:$0x0] =	sbarrier.arrive $0xFFFF  }
0xac: {  	_ =	strace $0x90000047  }
0xad: {  	s0 =	stileid.u32;
	[bflag:$0x2] =	sbarrier.arrive $0xFFFF  }
0xae: {  	p0 =	sne.s32 s0, $0x0;
	s0 =	rddreg [dreg:$0x2]  }
0xaf: {  	s0 =	sadd.s32 @!p0 $0x100000, s0  }
0xb0: {  	[sflag:s0] =	ssyncadd.tile.s32 @!p0 $0x1;
	_ =	shalt  }
.Lfunc_end2:
_tile_overlayer_lowered:
.L_overlay_start_2:
0xb1: {  	(tag) =	ssettag $0x2  }
0xb2: {  	s0 =	rddreg [dreg:$0x0];
	s2 =	stileid.u32  }
0xb3: {  	s1 =	rddreg [dreg:$0x1];
	p0 =	sne.s32 s2, $0x0  }
0xb4: {  	s3 =	rddreg [dreg:$0x2];
	[bflag:$0x3] =	sbarrier.arrive $0xFFFF;
	s2 =	simm.s32 @!p0 $0x1C01  }
0xb5: {  	[timem:s3], [sflag:s2] =	dma.local @!p0 [hbm:s0], s1  }
0xb6: {  	s0 =	simm.s32 @!p0 $0x1  }
0xb7: {  	_ =	swait.ge @!p0 [sflag:s0], s1  }
0xb8: {  	s1 =	ssub.s32 @!p0 $0x0, s1;
	[sflag:s0] =	ssyncset.done @!p0 $0x0  }
0xb9: {  	[sflag:s0] =	ssyncadd.s32 @!p0 s1  }
0xba: {  	[bflag:$0x3] =	sbarrier.arrive $0xFFFF  }
0xbb: {  	_ =	shalt  }

</sc_bundles>
